<compile_context>
chip_gen: v7x
topology: tpu7x:2x2x1
jax: 0.10.2.dev20260603
libtpu: 0.0.44.dev20260713+nightly
codegen_flags: <defaults>
</compile_context>

<pallas_src>
import functools

import jax
import jax.numpy as jnp
from jax import lax
from jax.experimental import pallas as pl
from jax.experimental.pallas import tpu as pltpu
from jax.experimental.pallas import tpu_sc as plsc


def _vq_body(x_ref, m_ref, c_ref, idx_ref, sq_ref):
    x = x_ref[0]
    c = c_ref[...]
    n = c.shape[0]
    xn = jnp.sum(x * x, axis=1, keepdims=True)
    cn = jnp.sum(c * c, axis=1)
    xc = lax.dot_general(x, c, (((1,), (1,)), ((), ())),
                         preferred_element_type=jnp.float32,
                         precision=lax.Precision.DEFAULT)
    dist = xn - 2.0 * xc + cn[None, :]
    mind = jnp.min(dist, axis=1, keepdims=True)
    ids = lax.broadcasted_iota(jnp.int32, dist.shape, 1)
    idx = jnp.min(jnp.where(dist == mind, ids, n), axis=1)
    idx_ref[0, 0] = idx
    sq_ref[0, 0] = mind[:, 0] * m_ref[0, 0]


_SC_INFO = plsc.get_sparse_core_info()
_NC = _SC_INFO.num_cores
_NS = _SC_INFO.num_subcores
_NW = _NC * _NS


@functools.lru_cache(maxsize=None)
def _make_sc_gather(V, D, Btot, CH):
    b_per_w = Btot // _NW
    nch = b_per_w // CH
    mesh = plsc.VectorSubcoreMesh(core_axis_name="c", subcore_axis_name="s")

    nb = min(nch, 4)

    @functools.partial(
        pl.kernel, mesh=mesh,
        out_type=jax.ShapeDtypeStruct((Btot, D), jnp.float32),
        scratch_types=[
            pltpu.VMEM((b_per_w,), jnp.int32),
            pltpu.VMEM((nb, CH, D), jnp.float32),
            pltpu.SemaphoreType.DMA,
            pltpu.SemaphoreType.DMA,
        ],
    )
    def gather_k(table_hbm, idx_hbm, out_hbm, idx_v, rows_v, gsem, ssem):
        wid = lax.axis_index("s") * _NC + lax.axis_index("c")
        base = wid * b_per_w
        pltpu.sync_copy(idx_hbm.at[pl.ds(base, b_per_w)], idx_v)
        g = [None] * nch
        w = [None] * nch

        def fire_g(i):
            g[i] = pltpu.async_copy(
                table_hbm.at[idx_v.at[pl.ds(i * CH, CH)]],
                rows_v.at[i % nb], gsem)

        def fire_w(i):
            w[i] = pltpu.async_copy(
                rows_v.at[i % nb], out_hbm.at[pl.ds(base + i * CH, CH)], ssem)

        for i in range(nb):
            fire_g(i)
        for i in range(nch):
            g[i].wait()
            fire_w(i)
            if i + nb < nch:
                w[i].wait()
                fire_g(i + nb)
        for i in range(max(0, nch - nb), nch):
            w[i].wait()

    return gather_k


def kernel(features, features_mask, codebook):
    B, T, H = features.shape
    N = codebook.shape[0]
    mask3 = features_mask.reshape(B, 1, T)
    sizes = (12, 12, 8)
    q = jnp.zeros((B, T, H), jnp.float32)
    sqs = []
    off = 0
    for BC in sizes:
        gather = _make_sc_gather(N, H, BC * T, 72)
        idx3, sqm = pl.pallas_call(
            _vq_body,
            grid=(BC,),
            in_specs=[
                pl.BlockSpec((1, T, H), lambda i, o=off: (o + i, 0, 0)),
                pl.BlockSpec((1, 1, T), lambda i, o=off: (o + i, 0, 0)),
                pl.BlockSpec((N, H), lambda i: (0, 0)),
            ],
            out_specs=[
                pl.BlockSpec((1, 1, T), lambda i: (i, 0, 0)),
                pl.BlockSpec((1, 1, T), lambda i: (i, 0, 0)),
            ],
            out_shape=[
                jax.ShapeDtypeStruct((BC, 1, T), jnp.int32),
                jax.ShapeDtypeStruct((BC, 1, T), jnp.float32),
            ],
        )(features, mask3, codebook)
        qk = gather(codebook, idx3.reshape(BC * T)).reshape(BC, T, H)
        q = lax.dynamic_update_slice(q, qk, (off, 0, 0))
        sqs.append(sqm)
        off += BC
    sqm = jnp.concatenate(sqs, axis=0)
    mask_sum = jnp.sum(features_mask, axis=1)
    loss = jnp.sum(sqm[:, 0, :], axis=1) / mask_sum
    return (q, loss, loss)

# --- scband reference (transcript-rebuilt; emitter-appended) ---
"""Pipeline reference for scband-quantizer-56023553409086 (READ-ONLY COPY).

The authoritative reference and input builder live on the scoring server;
editing this copy changes nothing except your own understanding.
"""

import jax, jax.numpy as jnp
import numpy as np

H_DIM = 256
N_CODEBOOK = 1024
B, T = 32, 576

def setup_inputs(seed: int = 0) -> dict:
    key = jax.random.key(seed)
    k1, k2 = jax.random.split(key, 2)
    features = jax.random.normal(k1, (B, T, H_DIM), dtype=jnp.float32)
    features_mask = jnp.ones((B, T), dtype=jnp.float32)
    codebook = jax.random.normal(k2, (N_CODEBOOK, H_DIM), dtype=jnp.float32)
    return {"features": features, "features_mask": features_mask, "codebook": codebook}

def reference(features, features_mask, codebook):
    features_shape = features.shape
    d = features_shape[-1]
    flat = features.reshape(-1, d)
    # nearest codebook entry (torch_cluster.nearest equivalent): argmin squared L2 distance
    dist = (jnp.sum(flat * flat, axis=1, keepdims=True)
            - 2.0 * flat @ codebook.T
            + jnp.sum(codebook * codebook, axis=1)[None, :])
    codebook_idx = jnp.argmin(dist, axis=-1)
    quantized = jnp.take(codebook, codebook_idx, axis=0).reshape(features_shape)
    mask = features_mask[..., None]
    mask_sum = jnp.sum(features_mask, axis=1)
    quant_loss = jnp.sum(jnp.square(jax.lax.stop_gradient(features) - quantized) * mask, axis=(1, 2)) / mask_sum
    commit_loss = jnp.sum(jnp.square(features - jax.lax.stop_gradient(quantized)) * mask, axis=(1, 2)) / mask_sum
    quantized_st = features + jax.lax.stop_gradient(quantized - features)
    return (quantized_st, quant_loss, commit_loss)

if __name__ == "__main__":
    import jax
    _d = setup_inputs()
    print(jax.jit(kernel)(*tuple(_d.values())))

</pallas_src>

<mosaic_0001>
#map = affine_map<(d0, d1) -> (0, 0)>
#map1 = affine_map<(d0, d1) -> (0)>
module attributes {stable_mosaic.version = 14 : i64} {
  func.func @gather_k(%arg0: i32, %arg1: i32, %arg2: memref<1024x256xf32, #tpu.memory_space<hbm>>, %arg3: memref<4608xi32, #tpu.memory_space<hbm>>, %arg4: memref<4608x256xf32, #tpu.memory_space<hbm>>, %arg5: memref<144xi32, #tpu.memory_space<vmem>>, %arg6: memref<2x72x256xf32, #tpu.memory_space<vmem>>, %arg7: memref<!tpu.dma_semaphore, #tpu.memory_space<semaphore_mem>>, %arg8: memref<!tpu.dma_semaphore, #tpu.memory_space<semaphore_mem>>) attributes {dimension_semantics = [#tpu.dimension_semantics<core_parallel>, #tpu.dimension_semantics<subcore_parallel>], iteration_bounds = array<i64: 2, 16>, scalar_prefetch = 0 : i64, scratch_operands = 4 : i64, tpu.core_type = #tpu.core_type<sc_vector_subcore>, window_params = [{transform_indices = #map}, {transform_indices = #map1}, {transform_indices = #map}]} {
    %mul3A = arith.constant 2 : i32
    %mul3A_0 = arith.muli %arg1, %mul3A : i32
    %add3A = arith.addi %mul3A_0, %arg0 : i32
    %mul3A_1 = arith.constant 144 : i32
    %mul3A_2 = arith.muli %add3A, %mul3A_1 : i32
    "tpu.region"() ({
      %run_scoped3A = tpu.sem_alloc : memref<!tpu.dma_semaphore, #tpu.memory_space<semaphore_mem>>
      %dma_start3A_97 = tpu.memref_slice %arg3[%mul3A_2] : memref<4608xi32, #tpu.memory_space<hbm>> -> memref<144xi32, #tpu.memory_space<hbm>>
      %dma_start3A_98 = tpu.memref_slice %arg3[%mul3A_2] : memref<4608xi32, #tpu.memory_space<hbm>> -> memref<144xi32, #tpu.memory_space<hbm>>
      tpu.enqueue_dma source(%dma_start3A_98 : memref<144xi32, #tpu.memory_space<hbm>>) target(%arg5 : memref<144xi32, #tpu.memory_space<vmem>>) target_semaphore(%run_scoped3A : memref<!tpu.dma_semaphore, #tpu.memory_space<semaphore_mem>>)
      %dma_wait3A_99 = tpu.memref_slice %arg3[%mul3A_2] : memref<4608xi32, #tpu.memory_space<hbm>> -> memref<144xi32, #tpu.memory_space<hbm>>
      %dma_wait3A_100 = tpu.memref_slice %arg3[%mul3A_2] : memref<4608xi32, #tpu.memory_space<hbm>> -> memref<144xi32, #tpu.memory_space<hbm>>
      tpu.wait_dma2 semaphore(%run_scoped3A : memref<!tpu.dma_semaphore, #tpu.memory_space<semaphore_mem>>) src(%dma_wait3A_100 : memref<144xi32, #tpu.memory_space<hbm>>) dst(%arg5 : memref<144xi32, #tpu.memory_space<vmem>>)
      tpu.yield
    }) : () -> ()
    %dma_start3A = arith.constant 0 : i32
    %dma_start3A_3 = arith.constant 0 : i32
    %dma_start3A_4 = arith.constant 0 : i32
    %dma_start3A_5 = tpu.memref_slice %arg6[%dma_start3A, %dma_start3A_3, %dma_start3A_4] : memref<2x72x256xf32, #tpu.memory_space<vmem>> -> memref<1x72x256xf32, #tpu.memory_space<vmem>>
    %dma_start3A_6 = tpu.memref_squeeze %dma_start3A_5 : memref<1x72x256xf32, #tpu.memory_space<vmem>> -> memref<72x256xf32, #tpu.memory_space<vmem>>
    %dma_start3A_7 = arith.constant 0 : i32
    %dma_start3A_8 = tpu.memref_slice %arg5[%dma_start3A_7] : memref<144xi32, #tpu.memory_space<vmem>> -> memref<72xi32, #tpu.memory_space<vmem>>
    %dma_start3A_9 = arith.constant 0 : i32
    %dma_start3A_10 = arith.constant 0 : i32
    %dma_start3A_11 = tpu.memref_slice %arg2[%dma_start3A_9, %dma_start3A_10] : memref<1024x256xf32, #tpu.memory_space<hbm>> -> memref<1024x256xf32, #tpu.memory_space<hbm>>
    tpu.enqueue_indirect_dma source(%dma_start3A_11 : memref<1024x256xf32, #tpu.memory_space<hbm>>) target(%dma_start3A_6 : memref<72x256xf32, #tpu.memory_space<vmem>>) offsets(%dma_start3A_8 : memref<72xi32, #tpu.memory_space<vmem>>) semaphore(%arg7 : memref<!tpu.dma_semaphore, #tpu.memory_space<semaphore_mem>>)
    %dma_start3A_12 = arith.constant 1 : i32
    %dma_start3A_13 = arith.constant 0 : i32
    %dma_start3A_14 = arith.constant 0 : i32
    %dma_start3A_15 = tpu.memref_slice %arg6[%dma_start3A_12, %dma_start3A_13, %dma_start3A_14] : memref<2x72x256xf32, #tpu.memory_space<vmem>> -> memref<1x72x256xf32, #tpu.memory_space<vmem>>
    %dma_start3A_16 = tpu.memref_squeeze %dma_start3A_15 : memref<1x72x256xf32, #tpu.memory_space<vmem>> -> memref<72x256xf32, #tpu.memory_space<vmem>>
    %dma_start3A_17 = arith.constant 72 : i32
    %dma_start3A_18 = tpu.memref_slice %arg5[%dma_start3A_17] : memref<144xi32, #tpu.memory_space<vmem>> -> memref<72xi32, #tpu.memory_space<vmem>>
    %dma_start3A_19 = arith.constant 0 : i32
    %dma_start3A_20 = arith.constant 0 : i32
    %dma_start3A_21 = tpu.memref_slice %arg2[%dma_start3A_19, %dma_start3A_20] : memref<1024x256xf32, #tpu.memory_space<hbm>> -> memref<1024x256xf32, #tpu.memory_space<hbm>>
    tpu.enqueue_indirect_dma source(%dma_start3A_21 : memref<1024x256xf32, #tpu.memory_space<hbm>>) target(%dma_start3A_16 : memref<72x256xf32, #tpu.memory_space<vmem>>) offsets(%dma_start3A_18 : memref<72xi32, #tpu.memory_space<vmem>>) semaphore(%arg7 : memref<!tpu.dma_semaphore, #tpu.memory_space<semaphore_mem>>)
    %dma_wait3A = arith.constant 0 : i32
    %dma_wait3A_22 = arith.constant 0 : i32
    %dma_wait3A_23 = arith.constant 0 : i32
    %dma_wait3A_24 = tpu.memref_slice %arg6[%dma_wait3A, %dma_wait3A_22, %dma_wait3A_23] : memref<2x72x256xf32, #tpu.memory_space<vmem>> -> memref<1x72x256xf32, #tpu.memory_space<vmem>>
    %dma_wait3A_25 = tpu.memref_squeeze %dma_wait3A_24 : memref<1x72x256xf32, #tpu.memory_space<vmem>> -> memref<72x256xf32, #tpu.memory_space<vmem>>
    %dma_wait3A_26 = arith.constant 0 : i32
    %dma_wait3A_27 = tpu.memref_slice %arg5[%dma_wait3A_26] : memref<144xi32, #tpu.memory_space<vmem>> -> memref<72xi32, #tpu.memory_space<vmem>>
    %dma_wait3A_28 = arith.constant 0 : i32
    %dma_wait3A_29 = arith.constant 0 : i32
    %dma_wait3A_30 = tpu.memref_slice %arg2[%dma_wait3A_28, %dma_wait3A_29] : memref<1024x256xf32, #tpu.memory_space<hbm>> -> memref<1024x256xf32, #tpu.memory_space<hbm>>
    tpu.wait_indirect_dma semaphore(%arg7 : memref<!tpu.dma_semaphore, #tpu.memory_space<semaphore_mem>>) src(%dma_wait3A_30 : memref<1024x256xf32, #tpu.memory_space<hbm>>) dst(%dma_wait3A_25 : memref<72x256xf32, #tpu.memory_space<vmem>>)
    %add3A_31 = arith.constant 0 : i32
    %add3A_32 = arith.addi %mul3A_2, %add3A_31 : i32
    %dma_start3A_33 = arith.constant 0 : i32
    %dma_start3A_34 = arith.constant 0 : i32
    %dma_start3A_35 = arith.constant 0 : i32
    %dma_start3A_36 = tpu.memref_slice %arg6[%dma_start3A_33, %dma_start3A_34, %dma_start3A_35] : memref<2x72x256xf32, #tpu.memory_space<vmem>> -> memref<1x72x256xf32, #tpu.memory_space<vmem>>
    %dma_start3A_37 = tpu.memref_squeeze %dma_start3A_36 : memref<1x72x256xf32, #tpu.memory_space<vmem>> -> memref<72x256xf32, #tpu.memory_space<vmem>>
    %dma_start3A_38 = arith.constant 0 : i32
    %dma_start3A_39 = tpu.memref_slice %arg4[%add3A_32, %dma_start3A_38] : memref<4608x256xf32, #tpu.memory_space<hbm>> -> memref<72x256xf32, #tpu.memory_space<hbm>>
    %dma_start3A_40 = arith.constant 0 : i32
    %dma_start3A_41 = tpu.memref_slice %arg4[%add3A_32, %dma_start3A_40] : memref<4608x256xf32, #tpu.memory_space<hbm>> -> memref<72x256xf32, #tpu.memory_space<hbm>>
    %dma_start3A_42 = arith.constant 0 : i32
    %dma_start3A_43 = arith.constant 0 : i32
    %dma_start3A_44 = tpu.memref_slice %arg6[%dma_start3A_33, %dma_start3A_42, %dma_start3A_43] : memref<2x72x256xf32, #tpu.memory_space<vmem>> -> memref<1x72x256xf32, #tpu.memory_space<vmem>>
    %dma_start3A_45 = tpu.memref_squeeze %dma_start3A_44 : memref<1x72x256xf32, #tpu.memory_space<vmem>> -> memref<72x256xf32, #tpu.memory_space<vmem>>
    tpu.enqueue_dma source(%dma_start3A_45 : memref<72x256xf32, #tpu.memory_space<vmem>>) target(%dma_start3A_41 : memref<72x256xf32, #tpu.memory_space<hbm>>) target_semaphore(%arg8 : memref<!tpu.dma_semaphore, #tpu.memory_space<semaphore_mem>>)
    %dma_wait3A_46 = arith.constant 1 : i32
    %dma_wait3A_47 = arith.constant 0 : i32
    %dma_wait3A_48 = arith.constant 0 : i32
    %dma_wait3A_49 = tpu.memref_slice %arg6[%dma_wait3A_46, %dma_wait3A_47, %dma_wait3A_48] : memref<2x72x256xf32, #tpu.memory_space<vmem>> -> memref<1x72x256xf32, #tpu.memory_space<vmem>>
    %dma_wait3A_50 = tpu.memref_squeeze %dma_wait3A_49 : memref<1x72x256xf32, #tpu.memory_space<vmem>> -> memref<72x256xf32, #tpu.memory_space<vmem>>
    %dma_wait3A_51 = arith.constant 72 : i32
    %dma_wait3A_52 = tpu.memref_slice %arg5[%dma_wait3A_51] : memref<144xi32, #tpu.memory_space<vmem>> -> memref<72xi32, #tpu.memory_space<vmem>>
    %dma_wait3A_53 = arith.constant 0 : i32
    %dma_wait3A_54 = arith.constant 0 : i32
    %dma_wait3A_55 = tpu.memref_slice %arg2[%dma_wait3A_53, %dma_wait3A_54] : memref<1024x256xf32, #tpu.memory_space<hbm>> -> memref<1024x256xf32, #tpu.memory_space<hbm>>
    tpu.wait_indirect_dma semaphore(%arg7 : memref<!tpu.dma_semaphore, #tpu.memory_space<semaphore_mem>>) src(%dma_wait3A_55 : memref<1024x256xf32, #tpu.memory_space<hbm>>) dst(%dma_wait3A_50 : memref<72x256xf32, #tpu.memory_space<vmem>>)
    %add3A_56 = arith.constant 72 : i32
    %add3A_57 = arith.addi %mul3A_2, %add3A_56 : i32
    %dma_start3A_58 = arith.constant 1 : i32
    %dma_start3A_59 = arith.constant 0 : i32
    %dma_start3A_60 = arith.constant 0 : i32
    %dma_start3A_61 = tpu.memref_slice %arg6[%dma_start3A_58, %dma_start3A_59, %dma_start3A_60] : memref<2x72x256xf32, #tpu.memory_space<vmem>> -> memref<1x72x256xf32, #tpu.memory_space<vmem>>
    %dma_start3A_62 = tpu.memref_squeeze %dma_start3A_61 : memref<1x72x256xf32, #tpu.memory_space<vmem>> -> memref<72x256xf32, #tpu.memory_space<vmem>>
    %dma_start3A_63 = arith.constant 0 : i32
    %dma_start3A_64 = tpu.memref_slice %arg4[%add3A_57, %dma_start3A_63] : memref<4608x256xf32, #tpu.memory_space<hbm>> -> memref<72x256xf32, #tpu.memory_space<hbm>>
    %dma_start3A_65 = arith.constant 0 : i32
    %dma_start3A_66 = tpu.memref_slice %arg4[%add3A_57, %dma_start3A_65] : memref<4608x256xf32, #tpu.memory_space<hbm>> -> memref<72x256xf32, #tpu.memory_space<hbm>>
    %dma_start3A_67 = arith.constant 0 : i32
    %dma_start3A_68 = arith.constant 0 : i32
    %dma_start3A_69 = tpu.memref_slice %arg6[%dma_start3A_58, %dma_start3A_67, %dma_start3A_68] : memref<2x72x256xf32, #tpu.memory_space<vmem>> -> memref<1x72x256xf32, #tpu.memory_space<vmem>>
    %dma_start3A_70 = tpu.memref_squeeze %dma_start3A_69 : memref<1x72x256xf32, #tpu.memory_space<vmem>> -> memref<72x256xf32, #tpu.memory_space<vmem>>
    tpu.enqueue_dma source(%dma_start3A_70 : memref<72x256xf32, #tpu.memory_space<vmem>>) target(%dma_start3A_66 : memref<72x256xf32, #tpu.memory_space<hbm>>) target_semaphore(%arg8 : memref<!tpu.dma_semaphore, #tpu.memory_space<semaphore_mem>>)
    %dma_wait3A_71 = arith.constant 0 : i32
    %dma_wait3A_72 = arith.constant 0 : i32
    %dma_wait3A_73 = arith.constant 0 : i32
    %dma_wait3A_74 = tpu.memref_slice %arg6[%dma_wait3A_71, %dma_wait3A_72, %dma_wait3A_73] : memref<2x72x256xf32, #tpu.memory_space<vmem>> -> memref<1x72x256xf32, #tpu.memory_space<vmem>>
    %dma_wait3A_75 = tpu.memref_squeeze %dma_wait3A_74 : memref<1x72x256xf32, #tpu.memory_space<vmem>> -> memref<72x256xf32, #tpu.memory_space<vmem>>
    %dma_wait3A_76 = arith.constant 0 : i32
    %dma_wait3A_77 = tpu.memref_slice %arg4[%add3A_32, %dma_wait3A_76] : memref<4608x256xf32, #tpu.memory_space<hbm>> -> memref<72x256xf32, #tpu.memory_space<hbm>>
    %dma_wait3A_78 = arith.constant 0 : i32
    %dma_wait3A_79 = tpu.memref_slice %arg4[%add3A_32, %dma_wait3A_78] : memref<4608x256xf32, #tpu.memory_space<hbm>> -> memref<72x256xf32, #tpu.memory_space<hbm>>
    %dma_wait3A_80 = arith.constant 0 : i32
    %dma_wait3A_81 = arith.constant 0 : i32
    %dma_wait3A_82 = tpu.memref_slice %arg6[%dma_wait3A_71, %dma_wait3A_80, %dma_wait3A_81] : memref<2x72x256xf32, #tpu.memory_space<vmem>> -> memref<1x72x256xf32, #tpu.memory_space<vmem>>
    %dma_wait3A_83 = tpu.memref_squeeze %dma_wait3A_82 : memref<1x72x256xf32, #tpu.memory_space<vmem>> -> memref<72x256xf32, #tpu.memory_space<vmem>>
    tpu.wait_dma2 semaphore(%arg8 : memref<!tpu.dma_semaphore, #tpu.memory_space<semaphore_mem>>) src(%dma_wait3A_83 : memref<72x256xf32, #tpu.memory_space<vmem>>) dst(%dma_wait3A_79 : memref<72x256xf32, #tpu.memory_space<hbm>>)
    %dma_wait3A_84 = arith.constant 1 : i32
    %dma_wait3A_85 = arith.constant 0 : i32
    %dma_wait3A_86 = arith.constant 0 : i32
    %dma_wait3A_87 = tpu.memref_slice %arg6[%dma_wait3A_84, %dma_wait3A_85, %dma_wait3A_86] : memref<2x72x256xf32, #tpu.memory_space<vmem>> -> memref<1x72x256xf32, #tpu.memory_space<vmem>>
    %dma_wait3A_88 = tpu.memref_squeeze %dma_wait3A_87 : memref<1x72x256xf32, #tpu.memory_space<vmem>> -> memref<72x256xf32, #tpu.memory_space<vmem>>
    %dma_wait3A_89 = arith.constant 0 : i32
    %dma_wait3A_90 = tpu.memref_slice %arg4[%add3A_57, %dma_wait3A_89] : memref<4608x256xf32, #tpu.memory_space<hbm>> -> memref<72x256xf32, #tpu.memory_space<hbm>>
    %dma_wait3A_91 = arith.constant 0 : i32
    %dma_wait3A_92 = tpu.memref_slice %arg4[%add3A_57, %dma_wait3A_91] : memref<4608x256xf32, #tpu.memory_space<hbm>> -> memref<72x256xf32, #tpu.memory_space<hbm>>
    %dma_wait3A_93 = arith.constant 0 : i32
    %dma_wait3A_94 = arith.constant 0 : i32
    %dma_wait3A_95 = tpu.memref_slice %arg6[%dma_wait3A_84, %dma_wait3A_93, %dma_wait3A_94] : memref<2x72x256xf32, #tpu.memory_space<vmem>> -> memref<1x72x256xf32, #tpu.memory_space<vmem>>
    %dma_wait3A_96 = tpu.memref_squeeze %dma_wait3A_95 : memref<1x72x256xf32, #tpu.memory_space<vmem>> -> memref<72x256xf32, #tpu.memory_space<vmem>>
    tpu.wait_dma2 semaphore(%arg8 : memref<!tpu.dma_semaphore, #tpu.memory_space<semaphore_mem>>) src(%dma_wait3A_96 : memref<72x256xf32, #tpu.memory_space<vmem>>) dst(%dma_wait3A_92 : memref<72x256xf32, #tpu.memory_space<hbm>>)
    return
  }
}

#map = affine_map<(d0, d1) -> (0, 0)>
#map1 = affine_map<(d0, d1) -> (0)>
module attributes {stable_mosaic.version = 14 : i64} {
  func.func @gather_k(%arg0: i32, %arg1: i32, %arg2: memref<1024x256xf32, #tpu.memory_space<hbm>>, %arg3: memref<6912xi32, #tpu.memory_space<hbm>>, %arg4: memref<6912x256xf32, #tpu.memory_space<hbm>>, %arg5: memref<216xi32, #tpu.memory_space<vmem>>, %arg6: memref<3x72x256xf32, #tpu.memory_space<vmem>>, %arg7: memref<!tpu.dma_semaphore, #tpu.memory_space<semaphore_mem>>, %arg8: memref<!tpu.dma_semaphore, #tpu.memory_space<semaphore_mem>>) attributes {dimension_semantics = [#tpu.dimension_semantics<core_parallel>, #tpu.dimension_semantics<subcore_parallel>], iteration_bounds = array<i64: 2, 16>, scalar_prefetch = 0 : i64, scratch_operands = 4 : i64, tpu.core_type = #tpu.core_type<sc_vector_subcore>, window_params = [{transform_indices = #map}, {transform_indices = #map1}, {transform_indices = #map}]} {
    %mul3A = arith.constant 2 : i32
    %mul3A_0 = arith.muli %arg1, %mul3A : i32
    %add3A = arith.addi %mul3A_0, %arg0 : i32
    %mul3A_1 = arith.constant 216 : i32
    %mul3A_2 = arith.muli %add3A, %mul3A_1 : i32
    "tpu.region"() ({
      %run_scoped3A = tpu.sem_alloc : memref<!tpu.dma_semaphore, #tpu.memory_space<semaphore_mem>>
      %dma_start3A_145 = tpu.memref_slice %arg3[%mul3A_2] : memref<6912xi32, #tpu.memory_space<hbm>> -> memref<216xi32, #tpu.memory_space<hbm>>
      %dma_start3A_146 = tpu.memref_slice %arg3[%mul3A_2] : memref<6912xi32, #tpu.memory_space<hbm>> -> memref<216xi32, #tpu.memory_space<hbm>>
      tpu.enqueue_dma source(%dma_start3A_146 : memref<216xi32, #tpu.memory_space<hbm>>) target(%arg5 : memref<216xi32, #tpu.memory_space<vmem>>) target_semaphore(%run_scoped3A : memref<!tpu.dma_semaphore, #tpu.memory_space<semaphore_mem>>)
      %dma_wait3A_147 = tpu.memref_slice %arg3[%mul3A_2] : memref<6912xi32, #tpu.memory_space<hbm>> -> memref<216xi32, #tpu.memory_space<hbm>>
      %dma_wait3A_148 = tpu.memref_slice %arg3[%mul3A_2] : memref<6912xi32, #tpu.memory_space<hbm>> -> memref<216xi32, #tpu.memory_space<hbm>>
      tpu.wait_dma2 semaphore(%run_scoped3A : memref<!tpu.dma_semaphore, #tpu.memory_space<semaphore_mem>>) src(%dma_wait3A_148 : memref<216xi32, #tpu.memory_space<hbm>>) dst(%arg5 : memref<216xi32, #tpu.memory_space<vmem>>)
      tpu.yield
    }) : () -> ()
    %dma_start3A = arith.constant 0 : i32
    %dma_start3A_3 = arith.constant 0 : i32
    %dma_start3A_4 = arith.constant 0 : i32
    %dma_start3A_5 = tpu.memref_slice %arg6[%dma_start3A, %dma_start3A_3, %dma_start3A_4] : memref<3x72x256xf32, #tpu.memory_space<vmem>> -> memref<1x72x256xf32, #tpu.memory_space<vmem>>
    %dma_start3A_6 = tpu.memref_squeeze %dma_start3A_5 : memref<1x72x256xf32, #tpu.memory_space<vmem>> -> memref<72x256xf32, #tpu.memory_space<vmem>>
    %dma_start3A_7 = arith.constant 0 : i32
    %dma_start3A_8 = tpu.memref_slice %arg5[%dma_start3A_7] : memref<216xi32, #tpu.memory_space<vmem>> -> memref<72xi32, #tpu.memory_space<vmem>>
    %dma_start3A_9 = arith.constant 0 : i32
    %dma_start3A_10 = arith.constant 0 : i32
    %dma_start3A_11 = tpu.memref_slice %arg2[%dma_start3A_9, %dma_start3A_10] : memref<1024x256xf32, #tpu.memory_space<hbm>> -> memref<1024x256xf32, #tpu.memory_space<hbm>>
    tpu.enqueue_indirect_dma source(%dma_start3A_11 : memref<1024x256xf32, #tpu.memory_space<hbm>>) target(%dma_start3A_6 : memref<72x256xf32, #tpu.memory_space<vmem>>) offsets(%dma_start3A_8 : memref<72xi32, #tpu.memory_space<vmem>>) semaphore(%arg7 : memref<!tpu.dma_semaphore, #tpu.memory_space<semaphore_mem>>)
    %dma_start3A_12 = arith.constant 1 : i32
    %dma_start3A_13 = arith.constant 0 : i32
    %dma_start3A_14 = arith.constant 0 : i32
    %dma_start3A_15 = tpu.memref_slice %arg6[%dma_start3A_12, %dma_start3A_13, %dma_start3A_14] : memref<3x72x256xf32, #tpu.memory_space<vmem>> -> memref<1x72x256xf32, #tpu.memory_space<vmem>>
    %dma_start3A_16 = tpu.memref_squeeze %dma_start3A_15 : memref<1x72x256xf32, #tpu.memory_space<vmem>> -> memref<72x256xf32, #tpu.memory_space<vmem>>
    %dma_start3A_17 = arith.constant 72 : i32
    %dma_start3A_18 = tpu.memref_slice %arg5[%dma_start3A_17] : memref<216xi32, #tpu.memory_space<vmem>> -> memref<72xi32, #tpu.memory_space<vmem>>
    %dma_start3A_19 = arith.constant 0 : i32
    %dma_start3A_20 = arith.constant 0 : i32
    %dma_start3A_21 = tpu.memref_slice %arg2[%dma_start3A_19, %dma_start3A_20] : memref<1024x256xf32, #tpu.memory_space<hbm>> -> memref<1024x256xf32, #tpu.memory_space<hbm>>
    tpu.enqueue_indirect_dma source(%dma_start3A_21 : memref<1024x256xf32, #tpu.memory_space<hbm>>) target(%dma_start3A_16 : memref<72x256xf32, #tpu.memory_space<vmem>>) offsets(%dma_start3A_18 : memref<72xi32, #tpu.memory_space<vmem>>) semaphore(%arg7 : memref<!tpu.dma_semaphore, #tpu.memory_space<semaphore_mem>>)
    %dma_start3A_22 = arith.constant 2 : i32
    %dma_start3A_23 = arith.constant 0 : i32
    %dma_start3A_24 = arith.constant 0 : i32
    %dma_start3A_25 = tpu.memref_slice %arg6[%dma_start3A_22, %dma_start3A_23, %dma_start3A_24] : memref<3x72x256xf32, #tpu.memory_space<vmem>> -> memref<1x72x256xf32, #tpu.memory_space<vmem>>
    %dma_start3A_26 = tpu.memref_squeeze %dma_start3A_25 : memref<1x72x256xf32, #tpu.memory_space<vmem>> -> memref<72x256xf32, #tpu.memory_space<vmem>>
    %dma_start3A_27 = arith.constant 144 : i32
    %dma_start3A_28 = tpu.memref_slice %arg5[%dma_start3A_27] : memref<216xi32, #tpu.memory_space<vmem>> -> memref<72xi32, #tpu.memory_space<vmem>>
    %dma_start3A_29 = arith.constant 0 : i32
    %dma_start3A_30 = arith.constant 0 : i32
    %dma_start3A_31 = tpu.memref_slice %arg2[%dma_start3A_29, %dma_start3A_30] : memref<1024x256xf32, #tpu.memory_space<hbm>> -> memref<1024x256xf32, #tpu.memory_space<hbm>>
    tpu.enqueue_indirect_dma source(%dma_start3A_31 : memref<1024x256xf32, #tpu.memory_space<hbm>>) target(%dma_start3A_26 : memref<72x256xf32, #tpu.memory_space<vmem>>) offsets(%dma_start3A_28 : memref<72xi32, #tpu.memory_space<vmem>>) semaphore(%arg7 : memref<!tpu.dma_semaphore, #tpu.memory_space<semaphore_mem>>)
    %dma_wait3A = arith.constant 0 : i32
    %dma_wait3A_32 = arith.constant 0 : i32
    %dma_wait3A_33 = arith.constant 0 : i32
    %dma_wait3A_34 = tpu.memref_slice %arg6[%dma_wait3A, %dma_wait3A_32, %dma_wait3A_33] : memref<3x72x256xf32, #tpu.memory_space<vmem>> -> memref<1x72x256xf32, #tpu.memory_space<vmem>>
    %dma_wait3A_35 = tpu.memref_squeeze %dma_wait3A_34 : memref<1x72x256xf32, #tpu.memory_space<vmem>> -> memref<72x256xf32, #tpu.memory_space<vmem>>
    %dma_wait3A_36 = arith.constant 0 : i32
    %dma_wait3A_37 = tpu.memref_slice %arg5[%dma_wait3A_36] : memref<216xi32, #tpu.memory_space<vmem>> -> memref<72xi32, #tpu.memory_space<vmem>>
    %dma_wait3A_38 = arith.constant 0 : i32
    %dma_wait3A_39 = arith.constant 0 : i32
    %dma_wait3A_40 = tpu.memref_slice %arg2[%dma_wait3A_38, %dma_wait3A_39] : memref<1024x256xf32, #tpu.memory_space<hbm>> -> memref<1024x256xf32, #tpu.memory_space<hbm>>
    tpu.wait_indirect_dma semaphore(%arg7 : memref<!tpu.dma_semaphore, #tpu.memory_space<semaphore_mem>>) src(%dma_wait3A_40 : memref<1024x256xf32, #tpu.memory_space<hbm>>) dst(%dma_wait3A_35 : memref<72x256xf32, #tpu.memory_space<vmem>>)
    %add3A_41 = arith.constant 0 : i32
    %add3A_42 = arith.addi %mul3A_2, %add3A_41 : i32
    %dma_start3A_43 = arith.constant 0 : i32
    %dma_start3A_44 = arith.constant 0 : i32
    %dma_start3A_45 = arith.constant 0 : i32
    %dma_start3A_46 = tpu.memref_slice %arg6[%dma_start3A_43, %dma_start3A_44, %dma_start3A_45] : memref<3x72x256xf32, #tpu.memory_space<vmem>> -> memref<1x72x256xf32, #tpu.memory_space<vmem>>
    %dma_start3A_47 = tpu.memref_squeeze %dma_start3A_46 : memref<1x72x256xf32, #tpu.memory_space<vmem>> -> memref<72x256xf32, #tpu.memory_space<vmem>>
    %dma_start3A_48 = arith.constant 0 : i32
    %dma_start3A_49 = tpu.memref_slice %arg4[%add3A_42, %dma_start3A_48] : memref<6912x256xf32, #tpu.memory_space<hbm>> -> memref<72x256xf32, #tpu.memory_space<hbm>>
    %dma_start3A_50 = arith.constant 0 : i32
    %dma_start3A_51 = tpu.memref_slice %arg4[%add3A_42, %dma_start3A_50] : memref<6912x256xf32, #tpu.memory_space<hbm>> -> memref<72x256xf32, #tpu.memory_space<hbm>>
    %dma_start3A_52 = arith.constant 0 : i32
    %dma_start3A_53 = arith.constant 0 : i32
    %dma_start3A_54 = tpu.memref_slice %arg6[%dma_start3A_43, %dma_start3A_52, %dma_start3A_53] : memref<3x72x256xf32, #tpu.memory_space<vmem>> -> memref<1x72x256xf32, #tpu.memory_space<vmem>>
    %dma_start3A_55 = tpu.memref_squeeze %dma_start3A_54 : memref<1x72x256xf32, #tpu.memory_space<vmem>> -> memref<72x256xf32, #tpu.memory_space<vmem>>
    tpu.enqueue_dma source(%dma_start3A_55 : memref<72x256xf32, #tpu.memory_space<vmem>>) target(%dma_start3A_51 : memref<72x256xf32, #tpu.memory_space<hbm>>) target_semaphore(%arg8 : memref<!tpu.dma_semaphore, #tpu.memory_space<semaphore_mem>>)
    %dma_wait3A_56 = arith.constant 1 : i32
    %dma_wait3A_57 = arith.constant 0 : i32
    %dma_wait3A_58 = arith.constant 0 : i32
    %dma_wait3A_59 = tpu.memref_slice %arg6[%dma_wait3A_56, %dma_wait3A_57, %dma_wait3A_58] : memref<3x72x256xf32, #tpu.memory_space<vmem>> -> memref<1x72x256xf32, #tpu.memory_space<vmem>>
    %dma_wait3A_60 = tpu.memref_squeeze %dma_wait3A_59 : memref<1x72x256xf32, #tpu.memory_space<vmem>> -> memref<72x256xf32, #tpu.memory_space<vmem>>
    %dma_wait3A_61 = arith.constant 72 : i32
    %dma_wait3A_62 = tpu.memref_slice %arg5[%dma_wait3A_61] : memref<216xi32, #tpu.memory_space<vmem>> -> memref<72xi32, #tpu.memory_space<vmem>>
    %dma_wait3A_63 = arith.constant 0 : i32
    %dma_wait3A_64 = arith.constant 0 : i32
    %dma_wait3A_65 = tpu.memref_slice %arg2[%dma_wait3A_63, %dma_wait3A_64] : memref<1024x256xf32, #tpu.memory_space<hbm>> -> memref<1024x256xf32, #tpu.memory_space<hbm>>
    tpu.wait_indirect_dma semaphore(%arg7 : memref<!tpu.dma_semaphore, #tpu.memory_space<semaphore_mem>>) src(%dma_wait3A_65 : memref<1024x256xf32, #tpu.memory_space<hbm>>) dst(%dma_wait3A_60 : memref<72x256xf32, #tpu.memory_space<vmem>>)
    %add3A_66 = arith.constant 72 : i32
    %add3A_67 = arith.addi %mul3A_2, %add3A_66 : i32
    %dma_start3A_68 = arith.constant 1 : i32
    %dma_start3A_69 = arith.constant 0 : i32
    %dma_start3A_70 = arith.constant 0 : i32
    %dma_start3A_71 = tpu.memref_slice %arg6[%dma_start3A_68, %dma_start3A_69, %dma_start3A_70] : memref<3x72x256xf32, #tpu.memory_space<vmem>> -> memref<1x72x256xf32, #tpu.memory_space<vmem>>
    %dma_start3A_72 = tpu.memref_squeeze %dma_start3A_71 : memref<1x72x256xf32, #tpu.memory_space<vmem>> -> memref<72x256xf32, #tpu.memory_space<vmem>>
    %dma_start3A_73 = arith.constant 0 : i32
    %dma_start3A_74 = tpu.memref_slice %arg4[%add3A_67, %dma_start3A_73] : memref<6912x256xf32, #tpu.memory_space<hbm>> -> memref<72x256xf32, #tpu.memory_space<hbm>>
    %dma_start3A_75 = arith.constant 0 : i32
    %dma_start3A_76 = tpu.memref_slice %arg4[%add3A_67, %dma_start3A_75] : memref<6912x256xf32, #tpu.memory_space<hbm>> -> memref<72x256xf32, #tpu.memory_space<hbm>>
    %dma_start3A_77 = arith.constant 0 : i32
    %dma_start3A_78 = arith.constant 0 : i32
    %dma_start3A_79 = tpu.memref_slice %arg6[%dma_start3A_68, %dma_start3A_77, %dma_start3A_78] : memref<3x72x256xf32, #tpu.memory_space<vmem>> -> memref<1x72x256xf32, #tpu.memory_space<vmem>>
    %dma_start3A_80 = tpu.memref_squeeze %dma_start3A_79 : memref<1x72x256xf32, #tpu.memory_space<vmem>> -> memref<72x256xf32, #tpu.memory_space<vmem>>
    tpu.enqueue_dma source(%dma_start3A_80 : memref<72x256xf32, #tpu.memory_space<vmem>>) target(%dma_start3A_76 : memref<72x256xf32, #tpu.memory_space<hbm>>) target_semaphore(%arg8 : memref<!tpu.dma_semaphore, #tpu.memory_space<semaphore_mem>>)
    %dma_wait3A_81 = arith.constant 2 : i32
    %dma_wait3A_82 = arith.constant 0 : i32
    %dma_wait3A_83 = arith.constant 0 : i32
    %dma_wait3A_84 = tpu.memref_slice %arg6[%dma_wait3A_81, %dma_wait3A_82, %dma_wait3A_83] : memref<3x72x256xf32, #tpu.memory_space<vmem>> -> memref<1x72x256xf32, #tpu.memory_space<vmem>>
    %dma_wait3A_85 = tpu.memref_squeeze %dma_wait3A_84 : memref<1x72x256xf32, #tpu.memory_space<vmem>> -> memref<72x256xf32, #tpu.memory_space<vmem>>
    %dma_wait3A_86 = arith.constant 144 : i32
    %dma_wait3A_87 = tpu.memref_slice %arg5[%dma_wait3A_86] : memref<216xi32, #tpu.memory_space<vmem>> -> memref<72xi32, #tpu.memory_space<vmem>>
    %dma_wait3A_88 = arith.constant 0 : i32
    %dma_wait3A_89 = arith.constant 0 : i32
    %dma_wait3A_90 = tpu.memref_slice %arg2[%dma_wait3A_88, %dma_wait3A_89] : memref<1024x256xf32, #tpu.memory_space<hbm>> -> memref<1024x256xf32, #tpu.memory_space<hbm>>
    tpu.wait_indirect_dma semaphore(%arg7 : memref<!tpu.dma_semaphore, #tpu.memory_space<semaphore_mem>>) src(%dma_wait3A_90 : memref<1024x256xf32, #tpu.memory_space<hbm>>) dst(%dma_wait3A_85 : memref<72x256xf32, #tpu.memory_space<vmem>>)
    %add3A_91 = arith.constant 144 : i32
    %add3A_92 = arith.addi %mul3A_2, %add3A_91 : i32
    %dma_start3A_93 = arith.constant 2 : i32
    %dma_start3A_94 = arith.constant 0 : i32
    %dma_start3A_95 = arith.constant 0 : i32
    %dma_start3A_96 = tpu.memref_slice %arg6[%dma_start3A_93, %dma_start3A_94, %dma_start3A_95] : memref<3x72x256xf32, #tpu.memory_space<vmem>> -> memref<1x72x256xf32, #tpu.memory_space<vmem>>
    %dma_start3A_97 = tpu.memref_squeeze %dma_start3A_96 : memref<1x72x256xf32, #tpu.memory_space<vmem>> -> memref<72x256xf32, #tpu.memory_space<vmem>>
    %dma_start3A_98 = arith.constant 0 : i32
    %dma_start3A_99 = tpu.memref_slice %arg4[%add3A_92, %dma_start3A_98] : memref<6912x256xf32, #tpu.memory_space<hbm>> -> memref<72x256xf32, #tpu.memory_space<hbm>>
    %dma_start3A_100 = arith.constant 0 : i32
    %dma_start3A_101 = tpu.memref_slice %arg4[%add3A_92, %dma_start3A_100] : memref<6912x256xf32, #tpu.memory_space<hbm>> -> memref<72x256xf32, #tpu.memory_space<hbm>>
    %dma_start3A_102 = arith.constant 0 : i32
    %dma_start3A_103 = arith.constant 0 : i32
    %dma_start3A_104 = tpu.memref_slice %arg6[%dma_start3A_93, %dma_start3A_102, %dma_start3A_103] : memref<3x72x256xf32, #tpu.memory_space<vmem>> -> memref<1x72x256xf32, #tpu.memory_space<vmem>>
    %dma_start3A_105 = tpu.memref_squeeze %dma_start3A_104 : memref<1x72x256xf32, #tpu.memory_space<vmem>> -> memref<72x256xf32, #tpu.memory_space<vmem>>
    tpu.enqueue_dma source(%dma_start3A_105 : memref<72x256xf32, #tpu.memory_space<vmem>>) target(%dma_start3A_101 : memref<72x256xf32, #tpu.memory_space<hbm>>) target_semaphore(%arg8 : memref<!tpu.dma_semaphore, #tpu.memory_space<semaphore_mem>>)
    %dma_wait3A_106 = arith.constant 0 : i32
    %dma_wait3A_107 = arith.constant 0 : i32
    %dma_wait3A_108 = arith.constant 0 : i32
    %dma_wait3A_109 = tpu.memref_slice %arg6[%dma_wait3A_106, %dma_wait3A_107, %dma_wait3A_108] : memref<3x72x256xf32, #tpu.memory_space<vmem>> -> memref<1x72x256xf32, #tpu.memory_space<vmem>>
    %dma_wait3A_110 = tpu.memref_squeeze %dma_wait3A_109 : memref<1x72x256xf32, #tpu.memory_space<vmem>> -> memref<72x256xf32, #tpu.memory_space<vmem>>
    %dma_wait3A_111 = arith.constant 0 : i32
    %dma_wait3A_112 = tpu.memref_slice %arg4[%add3A_42, %dma_wait3A_111] : memref<6912x256xf32, #tpu.memory_space<hbm>> -> memref<72x256xf32, #tpu.memory_space<hbm>>
    %dma_wait3A_113 = arith.constant 0 : i32
    %dma_wait3A_114 = tpu.memref_slice %arg4[%add3A_42, %dma_wait3A_113] : memref<6912x256xf32, #tpu.memory_space<hbm>> -> memref<72x256xf32, #tpu.memory_space<hbm>>
    %dma_wait3A_115 = arith.constant 0 : i32
    %dma_wait3A_116 = arith.constant 0 : i32
    %dma_wait3A_117 = tpu.memref_slice %arg6[%dma_wait3A_106, %dma_wait3A_115, %dma_wait3A_116] : memref<3x72x256xf32, #tpu.memory_space<vmem>> -> memref<1x72x256xf32, #tpu.memory_space<vmem>>
    %dma_wait3A_118 = tpu.memref_squeeze %dma_wait3A_117 : memref<1x72x256xf32, #tpu.memory_space<vmem>> -> memref<72x256xf32, #tpu.memory_space<vmem>>
    tpu.wait_dma2 semaphore(%arg8 : memref<!tpu.dma_semaphore, #tpu.memory_space<semaphore_mem>>) src(%dma_wait3A_118 : memref<72x256xf32, #tpu.memory_space<vmem>>) dst(%dma_wait3A_114 : memref<72x256xf32, #tpu.memory_space<hbm>>)
    %dma_wait3A_119 = arith.constant 1 : i32
    %dma_wait3A_120 = arith.constant 0 : i32
    %dma_wait3A_121 = arith.constant 0 : i32
    %dma_wait3A_122 = tpu.memref_slice %arg6[%dma_wait3A_119, %dma_wait3A_120, %dma_wait3A_121] : memref<3x72x256xf32, #tpu.memory_space<vmem>> -> memref<1x72x256xf32, #tpu.memory_space<vmem>>
    %dma_wait3A_123 = tpu.memref_squeeze %dma_wait3A_122 : memref<1x72x256xf32, #tpu.memory_space<vmem>> -> memref<72x256xf32, #tpu.memory_space<vmem>>
    %dma_wait3A_124 = arith.constant 0 : i32
    %dma_wait3A_125 = tpu.memref_slice %arg4[%add3A_67, %dma_wait3A_124] : memref<6912x256xf32, #tpu.memory_space<hbm>> -> memref<72x256xf32, #tpu.memory_space<hbm>>
    %dma_wait3A_126 = arith.constant 0 : i32
    %dma_wait3A_127 = tpu.memref_slice %arg4[%add3A_67, %dma_wait3A_126] : memref<6912x256xf32, #tpu.memory_space<hbm>> -> memref<72x256xf32, #tpu.memory_space<hbm>>
    %dma_wait3A_128 = arith.constant 0 : i32
    %dma_wait3A_129 = arith.constant 0 : i32
    %dma_wait3A_130 = tpu.memref_slice %arg6[%dma_wait3A_119, %dma_wait3A_128, %dma_wait3A_129] : memref<3x72x256xf32, #tpu.memory_space<vmem>> -> memref<1x72x256xf32, #tpu.memory_space<vmem>>
    %dma_wait3A_131 = tpu.memref_squeeze %dma_wait3A_130 : memref<1x72x256xf32, #tpu.memory_space<vmem>> -> memref<72x256xf32, #tpu.memory_space<vmem>>
    tpu.wait_dma2 semaphore(%arg8 : memref<!tpu.dma_semaphore, #tpu.memory_space<semaphore_mem>>) src(%dma_wait3A_131 : memref<72x256xf32, #tpu.memory_space<vmem>>) dst(%dma_wait3A_127 : memref<72x256xf32, #tpu.memory_space<hbm>>)
    %dma_wait3A_132 = arith.constant 2 : i32
    %dma_wait3A_133 = arith.constant 0 : i32
    %dma_wait3A_134 = arith.constant 0 : i32
    %dma_wait3A_135 = tpu.memref_slice %arg6[%dma_wait3A_132, %dma_wait3A_133, %dma_wait3A_134] : memref<3x72x256xf32, #tpu.memory_space<vmem>> -> memref<1x72x256xf32, #tpu.memory_space<vmem>>
    %dma_wait3A_136 = tpu.memref_squeeze %dma_wait3A_135 : memref<1x72x256xf32, #tpu.memory_space<vmem>> -> memref<72x256xf32, #tpu.memory_space<vmem>>
    %dma_wait3A_137 = arith.constant 0 : i32
    %dma_wait3A_138 = tpu.memref_slice %arg4[%add3A_92, %dma_wait3A_137] : memref<6912x256xf32, #tpu.memory_space<hbm>> -> memref<72x256xf32, #tpu.memory_space<hbm>>
    %dma_wait3A_139 = arith.constant 0 : i32
    %dma_wait3A_140 = tpu.memref_slice %arg4[%add3A_92, %dma_wait3A_139] : memref<6912x256xf32, #tpu.memory_space<hbm>> -> memref<72x256xf32, #tpu.memory_space<hbm>>
    %dma_wait3A_141 = arith.constant 0 : i32
    %dma_wait3A_142 = arith.constant 0 : i32
    %dma_wait3A_143 = tpu.memref_slice %arg6[%dma_wait3A_132, %dma_wait3A_141, %dma_wait3A_142] : memref<3x72x256xf32, #tpu.memory_space<vmem>> -> memref<1x72x256xf32, #tpu.memory_space<vmem>>
    %dma_wait3A_144 = tpu.memref_squeeze %dma_wait3A_143 : memref<1x72x256xf32, #tpu.memory_space<vmem>> -> memref<72x256xf32, #tpu.memory_space<vmem>>
    tpu.wait_dma2 semaphore(%arg8 : memref<!tpu.dma_semaphore, #tpu.memory_space<semaphore_mem>>) src(%dma_wait3A_144 : memref<72x256xf32, #tpu.memory_space<vmem>>) dst(%dma_wait3A_140 : memref<72x256xf32, #tpu.memory_space<hbm>>)
    return
  }
}

#map = affine_map<(d0, d1) -> (0, 0)>
#map1 = affine_map<(d0, d1) -> (0)>
module attributes {stable_mosaic.version = 14 : i64} {
  func.func @gather_k(%arg0: i32, %arg1: i32, %arg2: memref<1024x256xf32, #tpu.memory_space<hbm>>, %arg3: memref<6912xi32, #tpu.memory_space<hbm>>, %arg4: memref<6912x256xf32, #tpu.memory_space<hbm>>, %arg5: memref<216xi32, #tpu.memory_space<vmem>>, %arg6: memref<3x72x256xf32, #tpu.memory_space<vmem>>, %arg7: memref<!tpu.dma_semaphore, #tpu.memory_space<semaphore_mem>>, %arg8: memref<!tpu.dma_semaphore, #tpu.memory_space<semaphore_mem>>) attributes {dimension_semantics = [#tpu.dimension_semantics<core_parallel>, #tpu.dimension_semantics<subcore_parallel>], iteration_bounds = array<i64: 2, 16>, scalar_prefetch = 0 : i64, scratch_operands = 4 : i64, tpu.core_type = #tpu.core_type<sc_vector_subcore>, window_params = [{transform_indices = #map}, {transform_indices = #map1}, {transform_indices = #map}]} {
    %mul3A = arith.constant 2 : i32
    %mul3A_0 = arith.muli %arg1, %mul3A : i32
    %add3A = arith.addi %mul3A_0, %arg0 : i32
    %mul3A_1 = arith.constant 216 : i32
    %mul3A_2 = arith.muli %add3A, %mul3A_1 : i32
    "tpu.region"() ({
      %run_scoped3A = tpu.sem_alloc : memref<!tpu.dma_semaphore, #tpu.memory_space<semaphore_mem>>
      %dma_start3A_145 = tpu.memref_slice %arg3[%mul3A_2] : memref<6912xi32, #tpu.memory_space<hbm>> -> memref<216xi32, #tpu.memory_space<hbm>>
      %dma_start3A_146 = tpu.memref_slice %arg3[%mul3A_2] : memref<6912xi32, #tpu.memory_space<hbm>> -> memref<216xi32, #tpu.memory_space<hbm>>
      tpu.enqueue_dma source(%dma_start3A_146 : memref<216xi32, #tpu.memory_space<hbm>>) target(%arg5 : memref<216xi32, #tpu.memory_space<vmem>>) target_semaphore(%run_scoped3A : memref<!tpu.dma_semaphore, #tpu.memory_space<semaphore_mem>>)
      %dma_wait3A_147 = tpu.memref_slice %arg3[%mul3A_2] : memref<6912xi32, #tpu.memory_space<hbm>> -> memref<216xi32, #tpu.memory_space<hbm>>
      %dma_wait3A_148 = tpu.memref_slice %arg3[%mul3A_2] : memref<6912xi32, #tpu.memory_space<hbm>> -> memref<216xi32, #tpu.memory_space<hbm>>
      tpu.wait_dma2 semaphore(%run_scoped3A : memref<!tpu.dma_semaphore, #tpu.memory_space<semaphore_mem>>) src(%dma_wait3A_148 : memref<216xi32, #tpu.memory_space<hbm>>) dst(%arg5 : memref<216xi32, #tpu.memory_space<vmem>>)
      tpu.yield
    }) : () -> ()
    %dma_start3A = arith.constant 0 : i32
    %dma_start3A_3 = arith.constant 0 : i32
    %dma_start3A_4 = arith.constant 0 : i32
    %dma_start3A_5 = tpu.memref_slice %arg6[%dma_start3A, %dma_start3A_3, %dma_start3A_4] : memref<3x72x256xf32, #tpu.memory_space<vmem>> -> memref<1x72x256xf32, #tpu.memory_space<vmem>>
    %dma_start3A_6 = tpu.memref_squeeze %dma_start3A_5 : memref<1x72x256xf32, #tpu.memory_space<vmem>> -> memref<72x256xf32, #tpu.memory_space<vmem>>
    %dma_start3A_7 = arith.constant 0 : i32
    %dma_start3A_8 = tpu.memref_slice %arg5[%dma_start3A_7] : memref<216xi32, #tpu.memory_space<vmem>> -> memref<72xi32, #tpu.memory_space<vmem>>
    %dma_start3A_9 = arith.constant 0 : i32
    %dma_start3A_10 = arith.constant 0 : i32
    %dma_start3A_11 = tpu.memref_slice %arg2[%dma_start3A_9, %dma_start3A_10] : memref<1024x256xf32, #tpu.memory_space<hbm>> -> memref<1024x256xf32, #tpu.memory_space<hbm>>
    tpu.enqueue_indirect_dma source(%dma_start3A_11 : memref<1024x256xf32, #tpu.memory_space<hbm>>) target(%dma_start3A_6 : memref<72x256xf32, #tpu.memory_space<vmem>>) offsets(%dma_start3A_8 : memref<72xi32, #tpu.memory_space<vmem>>) semaphore(%arg7 : memref<!tpu.dma_semaphore, #tpu.memory_space<semaphore_mem>>)
    %dma_start3A_12 = arith.constant 1 : i32
    %dma_start3A_13 = arith.constant 0 : i32
    %dma_start3A_14 = arith.constant 0 : i32
    %dma_start3A_15 = tpu.memref_slice %arg6[%dma_start3A_12, %dma_start3A_13, %dma_start3A_14] : memref<3x72x256xf32, #tpu.memory_space<vmem>> -> memref<1x72x256xf32, #tpu.memory_space<vmem>>
    %dma_start3A_16 = tpu.memref_squeeze %dma_start3A_15 : memref<1x72x256xf32, #tpu.memory_space<vmem>> -> memref<72x256xf32, #tpu.memory_space<vmem>>
    %dma_start3A_17 = arith.constant 72 : i32
    %dma_start3A_18 = tpu.memref_slice %arg5[%dma_start3A_17] : memref<216xi32, #tpu.memory_space<vmem>> -> memref<72xi32, #tpu.memory_space<vmem>>
    %dma_start3A_19 = arith.constant 0 : i32
    %dma_start3A_20 = arith.constant 0 : i32
    %dma_start3A_21 = tpu.memref_slice %arg2[%dma_start3A_19, %dma_start3A_20] : memref<1024x256xf32, #tpu.memory_space<hbm>> -> memref<1024x256xf32, #tpu.memory_space<hbm>>
    tpu.enqueue_indirect_dma source(%dma_start3A_21 : memref<1024x256xf32, #tpu.memory_space<hbm>>) target(%dma_start3A_16 : memref<72x256xf32, #tpu.memory_space<vmem>>) offsets(%dma_start3A_18 : memref<72xi32, #tpu.memory_space<vmem>>) semaphore(%arg7 : memref<!tpu.dma_semaphore, #tpu.memory_space<semaphore_mem>>)
    %dma_start3A_22 = arith.constant 2 : i32
    %dma_start3A_23 = arith.constant 0 : i32
    %dma_start3A_24 = arith.constant 0 : i32
    %dma_start3A_25 = tpu.memref_slice %arg6[%dma_start3A_22, %dma_start3A_23, %dma_start3A_24] : memref<3x72x256xf32, #tpu.memory_space<vmem>> -> memref<1x72x256xf32, #tpu.memory_space<vmem>>
    %dma_start3A_26 = tpu.memref_squeeze %dma_start3A_25 : memref<1x72x256xf32, #tpu.memory_space<vmem>> -> memref<72x256xf32, #tpu.memory_space<vmem>>
    %dma_start3A_27 = arith.constant 144 : i32
    %dma_start3A_28 = tpu.memref_slice %arg5[%dma_start3A_27] : memref<216xi32, #tpu.memory_space<vmem>> -> memref<72xi32, #tpu.memory_space<vmem>>
    %dma_start3A_29 = arith.constant 0 : i32
    %dma_start3A_30 = arith.constant 0 : i32
    %dma_start3A_31 = tpu.memref_slice %arg2[%dma_start3A_29, %dma_start3A_30] : memref<1024x256xf32, #tpu.memory_space<hbm>> -> memref<1024x256xf32, #tpu.memory_space<hbm>>
    tpu.enqueue_indirect_dma source(%dma_start3A_31 : memref<1024x256xf32, #tpu.memory_space<hbm>>) target(%dma_start3A_26 : memref<72x256xf32, #tpu.memory_space<vmem>>) offsets(%dma_start3A_28 : memref<72xi32, #tpu.memory_space<vmem>>) semaphore(%arg7 : memref<!tpu.dma_semaphore, #tpu.memory_space<semaphore_mem>>)
    %dma_wait3A = arith.constant 0 : i32
    %dma_wait3A_32 = arith.constant 0 : i32
    %dma_wait3A_33 = arith.constant 0 : i32
    %dma_wait3A_34 = tpu.memref_slice %arg6[%dma_wait3A, %dma_wait3A_32, %dma_wait3A_33] : memref<3x72x256xf32, #tpu.memory_space<vmem>> -> memref<1x72x256xf32, #tpu.memory_space<vmem>>
    %dma_wait3A_35 = tpu.memref_squeeze %dma_wait3A_34 : memref<1x72x256xf32, #tpu.memory_space<vmem>> -> memref<72x256xf32, #tpu.memory_space<vmem>>
    %dma_wait3A_36 = arith.constant 0 : i32
    %dma_wait3A_37 = tpu.memref_slice %arg5[%dma_wait3A_36] : memref<216xi32, #tpu.memory_space<vmem>> -> memref<72xi32, #tpu.memory_space<vmem>>
    %dma_wait3A_38 = arith.constant 0 : i32
    %dma_wait3A_39 = arith.constant 0 : i32
    %dma_wait3A_40 = tpu.memref_slice %arg2[%dma_wait3A_38, %dma_wait3A_39] : memref<1024x256xf32, #tpu.memory_space<hbm>> -> memref<1024x256xf32, #tpu.memory_space<hbm>>
    tpu.wait_indirect_dma semaphore(%arg7 : memref<!tpu.dma_semaphore, #tpu.memory_space<semaphore_mem>>) src(%dma_wait3A_40 : memref<1024x256xf32, #tpu.memory_space<hbm>>) dst(%dma_wait3A_35 : memref<72x256xf32, #tpu.memory_space<vmem>>)
    %add3A_41 = arith.constant 0 : i32
    %add3A_42 = arith.addi %mul3A_2, %add3A_41 : i32
    %dma_start3A_43 = arith.constant 0 : i32
    %dma_start3A_44 = arith.constant 0 : i32
    %dma_start3A_45 = arith.constant 0 : i32
    %dma_start3A_46 = tpu.memref_slice %arg6[%dma_start3A_43, %dma_start3A_44, %dma_start3A_45] : memref<3x72x256xf32, #tpu.memory_space<vmem>> -> memref<1x72x256xf32, #tpu.memory_space<vmem>>
    %dma_start3A_47 = tpu.memref_squeeze %dma_start3A_46 : memref<1x72x256xf32, #tpu.memory_space<vmem>> -> memref<72x256xf32, #tpu.memory_space<vmem>>
    %dma_start3A_48 = arith.constant 0 : i32
    %dma_start3A_49 = tpu.memref_slice %arg4[%add3A_42, %dma_start3A_48] : memref<6912x256xf32, #tpu.memory_space<hbm>> -> memref<72x256xf32, #tpu.memory_space<hbm>>
    %dma_start3A_50 = arith.constant 0 : i32
    %dma_start3A_51 = tpu.memref_slice %arg4[%add3A_42, %dma_start3A_50] : memref<6912x256xf32, #tpu.memory_space<hbm>> -> memref<72x256xf32, #tpu.memory_space<hbm>>
    %dma_start3A_52 = arith.constant 0 : i32
    %dma_start3A_53 = arith.constant 0 : i32
    %dma_start3A_54 = tpu.memref_slice %arg6[%dma_start3A_43, %dma_start3A_52, %dma_start3A_53] : memref<3x72x256xf32, #tpu.memory_space<vmem>> -> memref<1x72x256xf32, #tpu.memory_space<vmem>>
    %dma_start3A_55 = tpu.memref_squeeze %dma_start3A_54 : memref<1x72x256xf32, #tpu.memory_space<vmem>> -> memref<72x256xf32, #tpu.memory_space<vmem>>
    tpu.enqueue_dma source(%dma_start3A_55 : memref<72x256xf32, #tpu.memory_space<vmem>>) target(%dma_start3A_51 : memref<72x256xf32, #tpu.memory_space<hbm>>) target_semaphore(%arg8 : memref<!tpu.dma_semaphore, #tpu.memory_space<semaphore_mem>>)
    %dma_wait3A_56 = arith.constant 1 : i32
    %dma_wait3A_57 = arith.constant 0 : i32
    %dma_wait3A_58 = arith.constant 0 : i32
    %dma_wait3A_59 = tpu.memref_slice %arg6[%dma_wait3A_56, %dma_wait3A_57, %dma_wait3A_58] : memref<3x72x256xf32, #tpu.memory_space<vmem>> -> memref<1x72x256xf32, #tpu.memory_space<vmem>>
    %dma_wait3A_60 = tpu.memref_squeeze %dma_wait3A_59 : memref<1x72x256xf32, #tpu.memory_space<vmem>> -> memref<72x256xf32, #tpu.memory_space<vmem>>
    %dma_wait3A_61 = arith.constant 72 : i32
    %dma_wait3A_62 = tpu.memref_slice %arg5[%dma_wait3A_61] : memref<216xi32, #tpu.memory_space<vmem>> -> memref<72xi32, #tpu.memory_space<vmem>>
    %dma_wait3A_63 = arith.constant 0 : i32
    %dma_wait3A_64 = arith.constant 0 : i32
    %dma_wait3A_65 = tpu.memref_slice %arg2[%dma_wait3A_63, %dma_wait3A_64] : memref<1024x256xf32, #tpu.memory_space<hbm>> -> memref<1024x256xf32, #tpu.memory_space<hbm>>
    tpu.wait_indirect_dma semaphore(%arg7 : memref<!tpu.dma_semaphore, #tpu.memory_space<semaphore_mem>>) src(%dma_wait3A_65 : memref<1024x256xf32, #tpu.memory_space<hbm>>) dst(%dma_wait3A_60 : memref<72x256xf32, #tpu.memory_space<vmem>>)
    %add3A_66 = arith.constant 72 : i32
    %add3A_67 = arith.addi %mul3A_2, %add3A_66 : i32
    %dma_start3A_68 = arith.constant 1 : i32
    %dma_start3A_69 = arith.constant 0 : i32
    %dma_start3A_70 = arith.constant 0 : i32
    %dma_start3A_71 = tpu.memref_slice %arg6[%dma_start3A_68, %dma_start3A_69, %dma_start3A_70] : memref<3x72x256xf32, #tpu.memory_space<vmem>> -> memref<1x72x256xf32, #tpu.memory_space<vmem>>
    %dma_start3A_72 = tpu.memref_squeeze %dma_start3A_71 : memref<1x72x256xf32, #tpu.memory_space<vmem>> -> memref<72x256xf32, #tpu.memory_space<vmem>>
    %dma_start3A_73 = arith.constant 0 : i32
    %dma_start3A_74 = tpu.memref_slice %arg4[%add3A_67, %dma_start3A_73] : memref<6912x256xf32, #tpu.memory_space<hbm>> -> memref<72x256xf32, #tpu.memory_space<hbm>>
    %dma_start3A_75 = arith.constant 0 : i32
    %dma_start3A_76 = tpu.memref_slice %arg4[%add3A_67, %dma_start3A_75] : memref<6912x256xf32, #tpu.memory_space<hbm>> -> memref<72x256xf32, #tpu.memory_space<hbm>>
    %dma_start3A_77 = arith.constant 0 : i32
    %dma_start3A_78 = arith.constant 0 : i32
    %dma_start3A_79 = tpu.memref_slice %arg6[%dma_start3A_68, %dma_start3A_77, %dma_start3A_78] : memref<3x72x256xf32, #tpu.memory_space<vmem>> -> memref<1x72x256xf32, #tpu.memory_space<vmem>>
    %dma_start3A_80 = tpu.memref_squeeze %dma_start3A_79 : memref<1x72x256xf32, #tpu.memory_space<vmem>> -> memref<72x256xf32, #tpu.memory_space<vmem>>
    tpu.enqueue_dma source(%dma_start3A_80 : memref<72x256xf32, #tpu.memory_space<vmem>>) target(%dma_start3A_76 : memref<72x256xf32, #tpu.memory_space<hbm>>) target_semaphore(%arg8 : memref<!tpu.dma_semaphore, #tpu.memory_space<semaphore_mem>>)
    %dma_wait3A_81 = arith.constant 2 : i32
    %dma_wait3A_82 = arith.constant 0 : i32
    %dma_wait3A_83 = arith.constant 0 : i32
    %dma_wait3A_84 = tpu.memref_slice %arg6[%dma_wait3A_81, %dma_wait3A_82, %dma_wait3A_83] : memref<3x72x256xf32, #tpu.memory_space<vmem>> -> memref<1x72x256xf32, #tpu.memory_space<vmem>>
    %dma_wait3A_85 = tpu.memref_squeeze %dma_wait3A_84 : memref<1x72x256xf32, #tpu.memory_space<vmem>> -> memref<72x256xf32, #tpu.memory_space<vmem>>
    %dma_wait3A_86 = arith.constant 144 : i32
    %dma_wait3A_87 = tpu.memref_slice %arg5[%dma_wait3A_86] : memref<216xi32, #tpu.memory_space<vmem>> -> memref<72xi32, #tpu.memory_space<vmem>>
    %dma_wait3A_88 = arith.constant 0 : i32
    %dma_wait3A_89 = arith.constant 0 : i32
    %dma_wait3A_90 = tpu.memref_slice %arg2[%dma_wait3A_88, %dma_wait3A_89] : memref<1024x256xf32, #tpu.memory_space<hbm>> -> memref<1024x256xf32, #tpu.memory_space<hbm>>
    tpu.wait_indirect_dma semaphore(%arg7 : memref<!tpu.dma_semaphore, #tpu.memory_space<semaphore_mem>>) src(%dma_wait3A_90 : memref<1024x256xf32, #tpu.memory_space<hbm>>) dst(%dma_wait3A_85 : memref<72x256xf32, #tpu.memory_space<vmem>>)
    %add3A_91 = arith.constant 144 : i32
    %add3A_92 = arith.addi %mul3A_2, %add3A_91 : i32
    %dma_start3A_93 = arith.constant 2 : i32
    %dma_start3A_94 = arith.constant 0 : i32
    %dma_start3A_95 = arith.constant 0 : i32
    %dma_start3A_96 = tpu.memref_slice %arg6[%dma_start3A_93, %dma_start3A_94, %dma_start3A_95] : memref<3x72x256xf32, #tpu.memory_space<vmem>> -> memref<1x72x256xf32, #tpu.memory_space<vmem>>
    %dma_start3A_97 = tpu.memref_squeeze %dma_start3A_96 : memref<1x72x256xf32, #tpu.memory_space<vmem>> -> memref<72x256xf32, #tpu.memory_space<vmem>>
    %dma_start3A_98 = arith.constant 0 : i32
    %dma_start3A_99 = tpu.memref_slice %arg4[%add3A_92, %dma_start3A_98] : memref<6912x256xf32, #tpu.memory_space<hbm>> -> memref<72x256xf32, #tpu.memory_space<hbm>>
    %dma_start3A_100 = arith.constant 0 : i32
    %dma_start3A_101 = tpu.memref_slice %arg4[%add3A_92, %dma_start3A_100] : memref<6912x256xf32, #tpu.memory_space<hbm>> -> memref<72x256xf32, #tpu.memory_space<hbm>>
    %dma_start3A_102 = arith.constant 0 : i32
    %dma_start3A_103 = arith.constant 0 : i32
    %dma_start3A_104 = tpu.memref_slice %arg6[%dma_start3A_93, %dma_start3A_102, %dma_start3A_103] : memref<3x72x256xf32, #tpu.memory_space<vmem>> -> memref<1x72x256xf32, #tpu.memory_space<vmem>>
    %dma_start3A_105 = tpu.memref_squeeze %dma_start3A_104 : memref<1x72x256xf32, #tpu.memory_space<vmem>> -> memref<72x256xf32, #tpu.memory_space<vmem>>
    tpu.enqueue_dma source(%dma_start3A_105 : memref<72x256xf32, #tpu.memory_space<vmem>>) target(%dma_start3A_101 : memref<72x256xf32, #tpu.memory_space<hbm>>) target_semaphore(%arg8 : memref<!tpu.dma_semaphore, #tpu.memory_space<semaphore_mem>>)
    %dma_wait3A_106 = arith.constant 0 : i32
    %dma_wait3A_107 = arith.constant 0 : i32
    %dma_wait3A_108 = arith.constant 0 : i32
    %dma_wait3A_109 = tpu.memref_slice %arg6[%dma_wait3A_106, %dma_wait3A_107, %dma_wait3A_108] : memref<3x72x256xf32, #tpu.memory_space<vmem>> -> memref<1x72x256xf32, #tpu.memory_space<vmem>>
    %dma_wait3A_110 = tpu.memref_squeeze %dma_wait3A_109 : memref<1x72x256xf32, #tpu.memory_space<vmem>> -> memref<72x256xf32, #tpu.memory_space<vmem>>
    %dma_wait3A_111 = arith.constant 0 : i32
    %dma_wait3A_112 = tpu.memref_slice %arg4[%add3A_42, %dma_wait3A_111] : memref<6912x256xf32, #tpu.memory_space<hbm>> -> memref<72x256xf32, #tpu.memory_space<hbm>>
    %dma_wait3A_113 = arith.constant 0 : i32
    %dma_wait3A_114 = tpu.memref_slice %arg4[%add3A_42, %dma_wait3A_113] : memref<6912x256xf32, #tpu.memory_space<hbm>> -> memref<72x256xf32, #tpu.memory_space<hbm>>
    %dma_wait3A_115 = arith.constant 0 : i32
    %dma_wait3A_116 = arith.constant 0 : i32
    %dma_wait3A_117 = tpu.memref_slice %arg6[%dma_wait3A_106, %dma_wait3A_115, %dma_wait3A_116] : memref<3x72x256xf32, #tpu.memory_space<vmem>> -> memref<1x72x256xf32, #tpu.memory_space<vmem>>
    %dma_wait3A_118 = tpu.memref_squeeze %dma_wait3A_117 : memref<1x72x256xf32, #tpu.memory_space<vmem>> -> memref<72x256xf32, #tpu.memory_space<vmem>>
    tpu.wait_dma2 semaphore(%arg8 : memref<!tpu.dma_semaphore, #tpu.memory_space<semaphore_mem>>) src(%dma_wait3A_118 : memref<72x256xf32, #tpu.memory_space<vmem>>) dst(%dma_wait3A_114 : memref<72x256xf32, #tpu.memory_space<hbm>>)
    %dma_wait3A_119 = arith.constant 1 : i32
    %dma_wait3A_120 = arith.constant 0 : i32
    %dma_wait3A_121 = arith.constant 0 : i32
    %dma_wait3A_122 = tpu.memref_slice %arg6[%dma_wait3A_119, %dma_wait3A_120, %dma_wait3A_121] : memref<3x72x256xf32, #tpu.memory_space<vmem>> -> memref<1x72x256xf32, #tpu.memory_space<vmem>>
    %dma_wait3A_123 = tpu.memref_squeeze %dma_wait3A_122 : memref<1x72x256xf32, #tpu.memory_space<vmem>> -> memref<72x256xf32, #tpu.memory_space<vmem>>
    %dma_wait3A_124 = arith.constant 0 : i32
    %dma_wait3A_125 = tpu.memref_slice %arg4[%add3A_67, %dma_wait3A_124] : memref<6912x256xf32, #tpu.memory_space<hbm>> -> memref<72x256xf32, #tpu.memory_space<hbm>>
    %dma_wait3A_126 = arith.constant 0 : i32
    %dma_wait3A_127 = tpu.memref_slice %arg4[%add3A_67, %dma_wait3A_126] : memref<6912x256xf32, #tpu.memory_space<hbm>> -> memref<72x256xf32, #tpu.memory_space<hbm>>
    %dma_wait3A_128 = arith.constant 0 : i32
    %dma_wait3A_129 = arith.constant 0 : i32
    %dma_wait3A_130 = tpu.memref_slice %arg6[%dma_wait3A_119, %dma_wait3A_128, %dma_wait3A_129] : memref<3x72x256xf32, #tpu.memory_space<vmem>> -> memref<1x72x256xf32, #tpu.memory_space<vmem>>
    %dma_wait3A_131 = tpu.memref_squeeze %dma_wait3A_130 : memref<1x72x256xf32, #tpu.memory_space<vmem>> -> memref<72x256xf32, #tpu.memory_space<vmem>>
    tpu.wait_dma2 semaphore(%arg8 : memref<!tpu.dma_semaphore, #tpu.memory_space<semaphore_mem>>) src(%dma_wait3A_131 : memref<72x256xf32, #tpu.memory_space<vmem>>) dst(%dma_wait3A_127 : memref<72x256xf32, #tpu.memory_space<hbm>>)
    %dma_wait3A_132 = arith.constant 2 : i32
    %dma_wait3A_133 = arith.constant 0 : i32
    %dma_wait3A_134 = arith.constant 0 : i32
    %dma_wait3A_135 = tpu.memref_slice %arg6[%dma_wait3A_132, %dma_wait3A_133, %dma_wait3A_134] : memref<3x72x256xf32, #tpu.memory_space<vmem>> -> memref<1x72x256xf32, #tpu.memory_space<vmem>>
    %dma_wait3A_136 = tpu.memref_squeeze %dma_wait3A_135 : memref<1x72x256xf32, #tpu.memory_space<vmem>> -> memref<72x256xf32, #tpu.memory_space<vmem>>
    %dma_wait3A_137 = arith.constant 0 : i32
    %dma_wait3A_138 = tpu.memref_slice %arg4[%add3A_92, %dma_wait3A_137] : memref<6912x256xf32, #tpu.memory_space<hbm>> -> memref<72x256xf32, #tpu.memory_space<hbm>>
    %dma_wait3A_139 = arith.constant 0 : i32
    %dma_wait3A_140 = tpu.memref_slice %arg4[%add3A_92, %dma_wait3A_139] : memref<6912x256xf32, #tpu.memory_space<hbm>> -> memref<72x256xf32, #tpu.memory_space<hbm>>
    %dma_wait3A_141 = arith.constant 0 : i32
    %dma_wait3A_142 = arith.constant 0 : i32
    %dma_wait3A_143 = tpu.memref_slice %arg6[%dma_wait3A_132, %dma_wait3A_141, %dma_wait3A_142] : memref<3x72x256xf32, #tpu.memory_space<vmem>> -> memref<1x72x256xf32, #tpu.memory_space<vmem>>
    %dma_wait3A_144 = tpu.memref_squeeze %dma_wait3A_143 : memref<1x72x256xf32, #tpu.memory_space<vmem>> -> memref<72x256xf32, #tpu.memory_space<vmem>>
    tpu.wait_dma2 semaphore(%arg8 : memref<!tpu.dma_semaphore, #tpu.memory_space<semaphore_mem>>) src(%dma_wait3A_144 : memref<72x256xf32, #tpu.memory_space<vmem>>) dst(%dma_wait3A_140 : memref<72x256xf32, #tpu.memory_space<hbm>>)
    return
  }
}

module attributes {stable_mosaic.version = 14 : i64} {
  func.func @_vq_body(%arg0: i32, %arg1: memref<1x576x256xf32, #tpu.memory_space<vmem>>, %arg2: memref<1x1x576xf32, #tpu.memory_space<vmem>>, %arg3: memref<1024x256xf32, #tpu.memory_space<vmem>>, %arg4: memref<1x1x576xi32, #tpu.memory_space<vmem>>, %arg5: memref<1x1x576xf32, #tpu.memory_space<vmem>>) attributes {dimension_semantics = [#tpu.dimension_semantics<arbitrary>], iteration_bounds = array<i64: 12>, scalar_prefetch = 0 : i64, scratch_operands = 0 : i64, tpu.core_type = #tpu.core_type<tc>, window_params = [{transform_indices = @transform_0, window_bounds = array<i64: 1, 576, 256>}, {transform_indices = @transform_1, window_bounds = array<i64: 1, 1, 576>}, {pipeline_mode = #tpu.pipeline_mode<synchronous>, transform_indices = @transform_2, window_bounds = array<i64: 1024, 256>}, {transform_indices = @transform_3, window_bounds = array<i64: 1, 1, 576>}, {transform_indices = @transform_4, window_bounds = array<i64: 1, 1, 576>}]} {
    %get3A = arith.constant 0 : index
    %get3A_0 = arith.constant 0 : index
    %get3A_1 = arith.constant 0 : index
    %get3A_2 = vector.load %arg1[%get3A, %get3A_0, %get3A_1] : memref<1x576x256xf32, #tpu.memory_space<vmem>>, vector<1x576x256xf32>
    %get3A_3 = vector.shape_cast %get3A_2 : vector<1x576x256xf32> to vector<576x256xf32>
    %get3A_4 = arith.constant 0 : index
    %get3A_5 = arith.constant 0 : index
    %get3A_6 = vector.load %arg3[%get3A_4, %get3A_5] : memref<1024x256xf32, #tpu.memory_space<vmem>>, vector<1024x256xf32>
    %mul3A = arith.mulf %get3A_3, %get3A_3 : vector<576x256xf32>
    %reduce_sum3A = arith.constant dense<0.000000e+00> : vector<576xf32>
    %reduce_sum3A_7 = vector.multi_reduction <add>, %mul3A, %reduce_sum3A [1] : vector<576x256xf32> to vector<576xf32>
    %broadcast_in_dim3A = vector.shape_cast %reduce_sum3A_7 : vector<576xf32> to vector<576x1xf32>
    %mul3A_8 = arith.mulf %get3A_6, %get3A_6 : vector<1024x256xf32>
    %reduce_sum3A_9 = arith.constant dense<0.000000e+00> : vector<1024xf32>
    %reduce_sum3A_10 = vector.multi_reduction <add>, %mul3A_8, %reduce_sum3A_9 [1] : vector<1024x256xf32> to vector<1024xf32>
    %dot_general3A = arith.constant dense<0.000000e+00> : vector<576x1024xf32>
    %dot_general3A_11 = tpu.matmul %get3A_3, %get3A_6, %dot_general3A {dimension_numbers = #tpu.dot_dimension_numbers<[1], [1], [0], [0], [0, 0, 1, 0], [], []>, transpose_lhs_hint = false} : vector<576x256xf32>, vector<1024x256xf32>, vector<576x1024xf32> -> vector<576x1024xf32>
    %mul3A_12 = arith.constant 2.000000e+00 : f32
    %mul3A_13 = vector.broadcast %mul3A_12 : f32 to vector<576x1024xf32>
    %mul3A_14 = arith.mulf %mul3A_13, %dot_general3A_11 : vector<576x1024xf32>
    %sub3A = vector.broadcast %broadcast_in_dim3A : vector<576x1xf32> to vector<576x1024xf32>
    %sub3A_15 = arith.subf %sub3A, %mul3A_14 : vector<576x1024xf32>
    %broadcast_in_dim3A_16 = vector.shape_cast %reduce_sum3A_10 : vector<1024xf32> to vector<1x1024xf32>
    %add3A = vector.broadcast %broadcast_in_dim3A_16 : vector<1x1024xf32> to vector<576x1024xf32>
    %add3A_17 = arith.addf %sub3A_15, %add3A : vector<576x1024xf32>
    %reduce_min3A = arith.constant dense<0x7F800000> : vector<576xf32>
    %reduce_min3A_18 = vector.multi_reduction <minimumf>, %add3A_17, %reduce_min3A [1] : vector<576x1024xf32> to vector<576xf32>
    %broadcast_in_dim3A_19 = vector.shape_cast %reduce_min3A_18 : vector<576xf32> to vector<576x1xf32>
    %iota3A = tpu.iota {dimensions = array<i32: 1>} : vector<576x1024xi32>
    %eq3A = vector.broadcast %broadcast_in_dim3A_19 : vector<576x1xf32> to vector<576x1024xf32>
    %eq3A_20 = arith.cmpf oeq, %add3A_17, %eq3A : vector<576x1024xf32>
    %jit3A = arith.constant 1024 : i32
    %broadcast_in_dim3A_21 = vector.broadcast %jit3A : i32 to vector<576x1024xi32>
    %select_n3A = arith.select %eq3A_20, %iota3A, %broadcast_in_dim3A_21 : vector<576x1024xi1>, vector<576x1024xi32>
    %reduce_min3A_22 = arith.constant dense<2147483647> : vector<576xi32>
    %reduce_min3A_23 = vector.multi_reduction <minsi>, %select_n3A, %reduce_min3A_22 [1] : vector<576x1024xi32> to vector<576xi32>
    %swap3A = arith.constant 0 : index
    %swap3A_24 = arith.constant 0 : index
    %swap3A_25 = arith.constant 0 : index
    %swap3A_26 = vector.load %arg4[%swap3A, %swap3A_24, %swap3A_25] : memref<1x1x576xi32, #tpu.memory_space<vmem>>, vector<1x1x576xi32>
    %swap3A_27 = vector.shape_cast %swap3A_26 : vector<1x1x576xi32> to vector<576xi32>
    %swap3A_28 = vector.shape_cast %reduce_min3A_23 : vector<576xi32> to vector<1x1x576xi32>
    tpu.vector_store %arg4[%swap3A, %swap3A_24, %swap3A_25], %swap3A_28 {strides = array<i32>} : memref<1x1x576xi32, #tpu.memory_space<vmem>>, vector<1x1x576xi32>,
    %squeeze3A = vector.shape_cast %broadcast_in_dim3A_19 : vector<576x1xf32> to vector<576xf32>
    %get3A_29 = arith.constant 0 : index
    %get3A_30 = arith.constant 0 : index
    %get3A_31 = arith.constant 0 : index
    %get3A_32 = vector.load %arg2[%get3A_29, %get3A_30, %get3A_31] : memref<1x1x576xf32, #tpu.memory_space<vmem>>, vector<1x1x576xf32>
    %get3A_33 = vector.shape_cast %get3A_32 : vector<1x1x576xf32> to vector<576xf32>
    %mul3A_34 = arith.mulf %squeeze3A, %get3A_33 : vector<576xf32>
    %swap3A_35 = arith.constant 0 : index
    %swap3A_36 = arith.constant 0 : index
    %swap3A_37 = arith.constant 0 : index
    %swap3A_38 = vector.load %arg5[%swap3A_35, %swap3A_36, %swap3A_37] : memref<1x1x576xf32, #tpu.memory_space<vmem>>, vector<1x1x576xf32>
    %swap3A_39 = vector.shape_cast %swap3A_38 : vector<1x1x576xf32> to vector<576xf32>
    %swap3A_40 = vector.shape_cast %mul3A_34 : vector<576xf32> to vector<1x1x576xf32>
    tpu.vector_store %arg5[%swap3A_35, %swap3A_36, %swap3A_37], %swap3A_40 {strides = array<i32>} : memref<1x1x576xf32, #tpu.memory_space<vmem>>, vector<1x1x576xf32>,
    return
  }
  func.func @transform_0(%arg0: i32) -> (i32, i32, i32) {
    %add3A = arith.constant 0 : i32
    %add3A_0 = arith.addi %add3A, %arg0 : i32
    %c0_i32 = arith.constant 0 : i32
    %c0_i32_1 = arith.constant 0 : i32
    %c0_i32_2 = arith.constant 0 : i32
    return %add3A_0, %c0_i32, %c0_i32_1 : i32, i32, i32
  }
  func.func @transform_1(%arg0: i32) -> (i32, i32, i32) {
    %add3A = arith.constant 0 : i32
    %add3A_0 = arith.addi %add3A, %arg0 : i32
    %c0_i32 = arith.constant 0 : i32
    %c0_i32_1 = arith.constant 0 : i32
    %c0_i32_2 = arith.constant 0 : i32
    return %add3A_0, %c0_i32, %c0_i32_1 : i32, i32, i32
  }
  func.func @transform_2(%arg0: i32) -> (i32, i32) {
    %c0_i32 = arith.constant 0 : i32
    %c0_i32_0 = arith.constant 0 : i32
    %c0_i32_1 = arith.constant 0 : i32
    return %c0_i32, %c0_i32_0 : i32, i32
  }
  func.func @transform_3(%arg0: i32) -> (i32, i32, i32) {
    %c0_i32 = arith.constant 0 : i32
    %c0_i32_0 = arith.constant 0 : i32
    %c0_i32_1 = arith.constant 0 : i32
    return %arg0, %c0_i32, %c0_i32_0 : i32, i32, i32
  }
  func.func @transform_4(%arg0: i32) -> (i32, i32, i32) {
    %c0_i32 = arith.constant 0 : i32
    %c0_i32_0 = arith.constant 0 : i32
    %c0_i32_1 = arith.constant 0 : i32
    return %arg0, %c0_i32, %c0_i32_0 : i32, i32, i32
  }
}

module attributes {stable_mosaic.version = 14 : i64} {
  func.func @_vq_body(%arg0: i32, %arg1: memref<1x576x256xf32, #tpu.memory_space<vmem>>, %arg2: memref<1x1x576xf32, #tpu.memory_space<vmem>>, %arg3: memref<1024x256xf32, #tpu.memory_space<vmem>>, %arg4: memref<1x1x576xi32, #tpu.memory_space<vmem>>, %arg5: memref<1x1x576xf32, #tpu.memory_space<vmem>>) attributes {dimension_semantics = [#tpu.dimension_semantics<arbitrary>], iteration_bounds = array<i64: 12>, scalar_prefetch = 0 : i64, scratch_operands = 0 : i64, tpu.core_type = #tpu.core_type<tc>, window_params = [{transform_indices = @transform_0, window_bounds = array<i64: 1, 576, 256>}, {transform_indices = @transform_1, window_bounds = array<i64: 1, 1, 576>}, {pipeline_mode = #tpu.pipeline_mode<synchronous>, transform_indices = @transform_2, window_bounds = array<i64: 1024, 256>}, {transform_indices = @transform_3, window_bounds = array<i64: 1, 1, 576>}, {transform_indices = @transform_4, window_bounds = array<i64: 1, 1, 576>}]} {
    %get3A = arith.constant 0 : index
    %get3A_0 = arith.constant 0 : index
    %get3A_1 = arith.constant 0 : index
    %get3A_2 = vector.load %arg1[%get3A, %get3A_0, %get3A_1] : memref<1x576x256xf32, #tpu.memory_space<vmem>>, vector<1x576x256xf32>
    %get3A_3 = vector.shape_cast %get3A_2 : vector<1x576x256xf32> to vector<576x256xf32>
    %get3A_4 = arith.constant 0 : index
    %get3A_5 = arith.constant 0 : index
    %get3A_6 = vector.load %arg3[%get3A_4, %get3A_5] : memref<1024x256xf32, #tpu.memory_space<vmem>>, vector<1024x256xf32>
    %mul3A = arith.mulf %get3A_3, %get3A_3 : vector<576x256xf32>
    %reduce_sum3A = arith.constant dense<0.000000e+00> : vector<576xf32>
    %reduce_sum3A_7 = vector.multi_reduction <add>, %mul3A, %reduce_sum3A [1] : vector<576x256xf32> to vector<576xf32>
    %broadcast_in_dim3A = vector.shape_cast %reduce_sum3A_7 : vector<576xf32> to vector<576x1xf32>
    %mul3A_8 = arith.mulf %get3A_6, %get3A_6 : vector<1024x256xf32>
    %reduce_sum3A_9 = arith.constant dense<0.000000e+00> : vector<1024xf32>
    %reduce_sum3A_10 = vector.multi_reduction <add>, %mul3A_8, %reduce_sum3A_9 [1] : vector<1024x256xf32> to vector<1024xf32>
    %dot_general3A = arith.constant dense<0.000000e+00> : vector<576x1024xf32>
    %dot_general3A_11 = tpu.matmul %get3A_3, %get3A_6, %dot_general3A {dimension_numbers = #tpu.dot_dimension_numbers<[1], [1], [0], [0], [0, 0, 1, 0], [], []>, transpose_lhs_hint = false} : vector<576x256xf32>, vector<1024x256xf32>, vector<576x1024xf32> -> vector<576x1024xf32>
    %mul3A_12 = arith.constant 2.000000e+00 : f32
    %mul3A_13 = vector.broadcast %mul3A_12 : f32 to vector<576x1024xf32>
    %mul3A_14 = arith.mulf %mul3A_13, %dot_general3A_11 : vector<576x1024xf32>
    %sub3A = vector.broadcast %broadcast_in_dim3A : vector<576x1xf32> to vector<576x1024xf32>
    %sub3A_15 = arith.subf %sub3A, %mul3A_14 : vector<576x1024xf32>
    %broadcast_in_dim3A_16 = vector.shape_cast %reduce_sum3A_10 : vector<1024xf32> to vector<1x1024xf32>
    %add3A = vector.broadcast %broadcast_in_dim3A_16 : vector<1x1024xf32> to vector<576x1024xf32>
    %add3A_17 = arith.addf %sub3A_15, %add3A : vector<576x1024xf32>
    %reduce_min3A = arith.constant dense<0x7F800000> : vector<576xf32>
    %reduce_min3A_18 = vector.multi_reduction <minimumf>, %add3A_17, %reduce_min3A [1] : vector<576x1024xf32> to vector<576xf32>
    %broadcast_in_dim3A_19 = vector.shape_cast %reduce_min3A_18 : vector<576xf32> to vector<576x1xf32>
    %iota3A = tpu.iota {dimensions = array<i32: 1>} : vector<576x1024xi32>
    %eq3A = vector.broadcast %broadcast_in_dim3A_19 : vector<576x1xf32> to vector<576x1024xf32>
    %eq3A_20 = arith.cmpf oeq, %add3A_17, %eq3A : vector<576x1024xf32>
    %jit3A = arith.constant 1024 : i32
    %broadcast_in_dim3A_21 = vector.broadcast %jit3A : i32 to vector<576x1024xi32>
    %select_n3A = arith.select %eq3A_20, %iota3A, %broadcast_in_dim3A_21 : vector<576x1024xi1>, vector<576x1024xi32>
    %reduce_min3A_22 = arith.constant dense<2147483647> : vector<576xi32>
    %reduce_min3A_23 = vector.multi_reduction <minsi>, %select_n3A, %reduce_min3A_22 [1] : vector<576x1024xi32> to vector<576xi32>
    %swap3A = arith.constant 0 : index
    %swap3A_24 = arith.constant 0 : index
    %swap3A_25 = arith.constant 0 : index
    %swap3A_26 = vector.load %arg4[%swap3A, %swap3A_24, %swap3A_25] : memref<1x1x576xi32, #tpu.memory_space<vmem>>, vector<1x1x576xi32>
    %swap3A_27 = vector.shape_cast %swap3A_26 : vector<1x1x576xi32> to vector<576xi32>
    %swap3A_28 = vector.shape_cast %reduce_min3A_23 : vector<576xi32> to vector<1x1x576xi32>
    tpu.vector_store %arg4[%swap3A, %swap3A_24, %swap3A_25], %swap3A_28 {strides = array<i32>} : memref<1x1x576xi32, #tpu.memory_space<vmem>>, vector<1x1x576xi32>,
    %squeeze3A = vector.shape_cast %broadcast_in_dim3A_19 : vector<576x1xf32> to vector<576xf32>
    %get3A_29 = arith.constant 0 : index
    %get3A_30 = arith.constant 0 : index
    %get3A_31 = arith.constant 0 : index
    %get3A_32 = vector.load %arg2[%get3A_29, %get3A_30, %get3A_31] : memref<1x1x576xf32, #tpu.memory_space<vmem>>, vector<1x1x576xf32>
    %get3A_33 = vector.shape_cast %get3A_32 : vector<1x1x576xf32> to vector<576xf32>
    %mul3A_34 = arith.mulf %squeeze3A, %get3A_33 : vector<576xf32>
    %swap3A_35 = arith.constant 0 : index
    %swap3A_36 = arith.constant 0 : index
    %swap3A_37 = arith.constant 0 : index
    %swap3A_38 = vector.load %arg5[%swap3A_35, %swap3A_36, %swap3A_37] : memref<1x1x576xf32, #tpu.memory_space<vmem>>, vector<1x1x576xf32>
    %swap3A_39 = vector.shape_cast %swap3A_38 : vector<1x1x576xf32> to vector<576xf32>
    %swap3A_40 = vector.shape_cast %mul3A_34 : vector<576xf32> to vector<1x1x576xf32>
    tpu.vector_store %arg5[%swap3A_35, %swap3A_36, %swap3A_37], %swap3A_40 {strides = array<i32>} : memref<1x1x576xf32, #tpu.memory_space<vmem>>, vector<1x1x576xf32>,
    return
  }
  func.func @transform_0(%arg0: i32) -> (i32, i32, i32) {
    %add3A = arith.constant 12 : i32
    %add3A_0 = arith.addi %add3A, %arg0 : i32
    %c0_i32 = arith.constant 0 : i32
    %c0_i32_1 = arith.constant 0 : i32
    %c0_i32_2 = arith.constant 0 : i32
    return %add3A_0, %c0_i32, %c0_i32_1 : i32, i32, i32
  }
  func.func @transform_1(%arg0: i32) -> (i32, i32, i32) {
    %add3A = arith.constant 12 : i32
    %add3A_0 = arith.addi %add3A, %arg0 : i32
    %c0_i32 = arith.constant 0 : i32
    %c0_i32_1 = arith.constant 0 : i32
    %c0_i32_2 = arith.constant 0 : i32
    return %add3A_0, %c0_i32, %c0_i32_1 : i32, i32, i32
  }
  func.func @transform_2(%arg0: i32) -> (i32, i32) {
    %c0_i32 = arith.constant 0 : i32
    %c0_i32_0 = arith.constant 0 : i32
    %c0_i32_1 = arith.constant 0 : i32
    return %c0_i32, %c0_i32_0 : i32, i32
  }
  func.func @transform_3(%arg0: i32) -> (i32, i32, i32) {
    %c0_i32 = arith.constant 0 : i32
    %c0_i32_0 = arith.constant 0 : i32
    %c0_i32_1 = arith.constant 0 : i32
    return %arg0, %c0_i32, %c0_i32_0 : i32, i32, i32
  }
  func.func @transform_4(%arg0: i32) -> (i32, i32, i32) {
    %c0_i32 = arith.constant 0 : i32
    %c0_i32_0 = arith.constant 0 : i32
    %c0_i32_1 = arith.constant 0 : i32
    return %arg0, %c0_i32, %c0_i32_0 : i32, i32, i32
  }
}

module attributes {stable_mosaic.version = 14 : i64} {
  func.func @_vq_body(%arg0: i32, %arg1: memref<1x576x256xf32, #tpu.memory_space<vmem>>, %arg2: memref<1x1x576xf32, #tpu.memory_space<vmem>>, %arg3: memref<1024x256xf32, #tpu.memory_space<vmem>>, %arg4: memref<1x1x576xi32, #tpu.memory_space<vmem>>, %arg5: memref<1x1x576xf32, #tpu.memory_space<vmem>>) attributes {dimension_semantics = [#tpu.dimension_semantics<arbitrary>], iteration_bounds = array<i64: 8>, scalar_prefetch = 0 : i64, scratch_operands = 0 : i64, tpu.core_type = #tpu.core_type<tc>, window_params = [{transform_indices = @transform_0, window_bounds = array<i64: 1, 576, 256>}, {transform_indices = @transform_1, window_bounds = array<i64: 1, 1, 576>}, {pipeline_mode = #tpu.pipeline_mode<synchronous>, transform_indices = @transform_2, window_bounds = array<i64: 1024, 256>}, {transform_indices = @transform_3, window_bounds = array<i64: 1, 1, 576>}, {transform_indices = @transform_4, window_bounds = array<i64: 1, 1, 576>}]} {
    %get3A = arith.constant 0 : index
    %get3A_0 = arith.constant 0 : index
    %get3A_1 = arith.constant 0 : index
    %get3A_2 = vector.load %arg1[%get3A, %get3A_0, %get3A_1] : memref<1x576x256xf32, #tpu.memory_space<vmem>>, vector<1x576x256xf32>
    %get3A_3 = vector.shape_cast %get3A_2 : vector<1x576x256xf32> to vector<576x256xf32>
    %get3A_4 = arith.constant 0 : index
    %get3A_5 = arith.constant 0 : index
    %get3A_6 = vector.load %arg3[%get3A_4, %get3A_5] : memref<1024x256xf32, #tpu.memory_space<vmem>>, vector<1024x256xf32>
    %mul3A = arith.mulf %get3A_3, %get3A_3 : vector<576x256xf32>
    %reduce_sum3A = arith.constant dense<0.000000e+00> : vector<576xf32>
    %reduce_sum3A_7 = vector.multi_reduction <add>, %mul3A, %reduce_sum3A [1] : vector<576x256xf32> to vector<576xf32>
    %broadcast_in_dim3A = vector.shape_cast %reduce_sum3A_7 : vector<576xf32> to vector<576x1xf32>
    %mul3A_8 = arith.mulf %get3A_6, %get3A_6 : vector<1024x256xf32>
    %reduce_sum3A_9 = arith.constant dense<0.000000e+00> : vector<1024xf32>
    %reduce_sum3A_10 = vector.multi_reduction <add>, %mul3A_8, %reduce_sum3A_9 [1] : vector<1024x256xf32> to vector<1024xf32>
    %dot_general3A = arith.constant dense<0.000000e+00> : vector<576x1024xf32>
    %dot_general3A_11 = tpu.matmul %get3A_3, %get3A_6, %dot_general3A {dimension_numbers = #tpu.dot_dimension_numbers<[1], [1], [0], [0], [0, 0, 1, 0], [], []>, transpose_lhs_hint = false} : vector<576x256xf32>, vector<1024x256xf32>, vector<576x1024xf32> -> vector<576x1024xf32>
    %mul3A_12 = arith.constant 2.000000e+00 : f32
    %mul3A_13 = vector.broadcast %mul3A_12 : f32 to vector<576x1024xf32>
    %mul3A_14 = arith.mulf %mul3A_13, %dot_general3A_11 : vector<576x1024xf32>
    %sub3A = vector.broadcast %broadcast_in_dim3A : vector<576x1xf32> to vector<576x1024xf32>
    %sub3A_15 = arith.subf %sub3A, %mul3A_14 : vector<576x1024xf32>
    %broadcast_in_dim3A_16 = vector.shape_cast %reduce_sum3A_10 : vector<1024xf32> to vector<1x1024xf32>
    %add3A = vector.broadcast %broadcast_in_dim3A_16 : vector<1x1024xf32> to vector<576x1024xf32>
    %add3A_17 = arith.addf %sub3A_15, %add3A : vector<576x1024xf32>
    %reduce_min3A = arith.constant dense<0x7F800000> : vector<576xf32>
    %reduce_min3A_18 = vector.multi_reduction <minimumf>, %add3A_17, %reduce_min3A [1] : vector<576x1024xf32> to vector<576xf32>
    %broadcast_in_dim3A_19 = vector.shape_cast %reduce_min3A_18 : vector<576xf32> to vector<576x1xf32>
    %iota3A = tpu.iota {dimensions = array<i32: 1>} : vector<576x1024xi32>
    %eq3A = vector.broadcast %broadcast_in_dim3A_19 : vector<576x1xf32> to vector<576x1024xf32>
    %eq3A_20 = arith.cmpf oeq, %add3A_17, %eq3A : vector<576x1024xf32>
    %jit3A = arith.constant 1024 : i32
    %broadcast_in_dim3A_21 = vector.broadcast %jit3A : i32 to vector<576x1024xi32>
    %select_n3A = arith.select %eq3A_20, %iota3A, %broadcast_in_dim3A_21 : vector<576x1024xi1>, vector<576x1024xi32>
    %reduce_min3A_22 = arith.constant dense<2147483647> : vector<576xi32>
    %reduce_min3A_23 = vector.multi_reduction <minsi>, %select_n3A, %reduce_min3A_22 [1] : vector<576x1024xi32> to vector<576xi32>
    %swap3A = arith.constant 0 : index
    %swap3A_24 = arith.constant 0 : index
    %swap3A_25 = arith.constant 0 : index
    %swap3A_26 = vector.load %arg4[%swap3A, %swap3A_24, %swap3A_25] : memref<1x1x576xi32, #tpu.memory_space<vmem>>, vector<1x1x576xi32>
    %swap3A_27 = vector.shape_cast %swap3A_26 : vector<1x1x576xi32> to vector<576xi32>
    %swap3A_28 = vector.shape_cast %reduce_min3A_23 : vector<576xi32> to vector<1x1x576xi32>
    tpu.vector_store %arg4[%swap3A, %swap3A_24, %swap3A_25], %swap3A_28 {strides = array<i32>} : memref<1x1x576xi32, #tpu.memory_space<vmem>>, vector<1x1x576xi32>,
    %squeeze3A = vector.shape_cast %broadcast_in_dim3A_19 : vector<576x1xf32> to vector<576xf32>
    %get3A_29 = arith.constant 0 : index
    %get3A_30 = arith.constant 0 : index
    %get3A_31 = arith.constant 0 : index
    %get3A_32 = vector.load %arg2[%get3A_29, %get3A_30, %get3A_31] : memref<1x1x576xf32, #tpu.memory_space<vmem>>, vector<1x1x576xf32>
    %get3A_33 = vector.shape_cast %get3A_32 : vector<1x1x576xf32> to vector<576xf32>
    %mul3A_34 = arith.mulf %squeeze3A, %get3A_33 : vector<576xf32>
    %swap3A_35 = arith.constant 0 : index
    %swap3A_36 = arith.constant 0 : index
    %swap3A_37 = arith.constant 0 : index
    %swap3A_38 = vector.load %arg5[%swap3A_35, %swap3A_36, %swap3A_37] : memref<1x1x576xf32, #tpu.memory_space<vmem>>, vector<1x1x576xf32>
    %swap3A_39 = vector.shape_cast %swap3A_38 : vector<1x1x576xf32> to vector<576xf32>
    %swap3A_40 = vector.shape_cast %mul3A_34 : vector<576xf32> to vector<1x1x576xf32>
    tpu.vector_store %arg5[%swap3A_35, %swap3A_36, %swap3A_37], %swap3A_40 {strides = array<i32>} : memref<1x1x576xf32, #tpu.memory_space<vmem>>, vector<1x1x576xf32>,
    return
  }
  func.func @transform_0(%arg0: i32) -> (i32, i32, i32) {
    %add3A = arith.constant 24 : i32
    %add3A_0 = arith.addi %add3A, %arg0 : i32
    %c0_i32 = arith.constant 0 : i32
    %c0_i32_1 = arith.constant 0 : i32
    %c0_i32_2 = arith.constant 0 : i32
    return %add3A_0, %c0_i32, %c0_i32_1 : i32, i32, i32
  }
  func.func @transform_1(%arg0: i32) -> (i32, i32, i32) {
    %add3A = arith.constant 24 : i32
    %add3A_0 = arith.addi %add3A, %arg0 : i32
    %c0_i32 = arith.constant 0 : i32
    %c0_i32_1 = arith.constant 0 : i32
    %c0_i32_2 = arith.constant 0 : i32
    return %add3A_0, %c0_i32, %c0_i32_1 : i32, i32, i32
  }
  func.func @transform_2(%arg0: i32) -> (i32, i32) {
    %c0_i32 = arith.constant 0 : i32
    %c0_i32_0 = arith.constant 0 : i32
    %c0_i32_1 = arith.constant 0 : i32
    return %c0_i32, %c0_i32_0 : i32, i32
  }
  func.func @transform_3(%arg0: i32) -> (i32, i32, i32) {
    %c0_i32 = arith.constant 0 : i32
    %c0_i32_0 = arith.constant 0 : i32
    %c0_i32_1 = arith.constant 0 : i32
    return %arg0, %c0_i32, %c0_i32_0 : i32, i32, i32
  }
  func.func @transform_4(%arg0: i32) -> (i32, i32, i32) {
    %c0_i32 = arith.constant 0 : i32
    %c0_i32_0 = arith.constant 0 : i32
    %c0_i32_1 = arith.constant 0 : i32
    return %arg0, %c0_i32, %c0_i32_0 : i32, i32, i32
  }
}

</mosaic_0001>

<sc_bundles>
// kernel: kernel.11.cloned.1.call-start
scs
__scs_entry_jumppad:
0x0: {  	(pc) =	sbr.rel $0x88, $3  }
0x1: {  	(tag) =	ssettag $0x0;
	lr =	simm.s32 $0x1  }
0x2: {  	[smem:$0x3F9E] =	sst lr;
	_ =	strace $0xD0000000  }
0x3: {  	_ = 	snop  }
0x4: {  	_ = 	snop  }
0x5: {  	_ = 	snop  }
0x6: {  	_ = 	snop  }
0x7: {  	_ = 	snop  }
__scs_overlays_trampoline_lowered:
0x8: {  	[smem:$0x3FAD] =	sst s0  }
0x9: {  	[smem:$0x3FAE] =	sst s1  }
0xa: {  	[smem:$0x3FAF] =	sst s2  }
0xb: {  	[smem:$0x3FB0] =	sst s3  }
0xc: {  	[smem:$0x3FB1] =	sst s4  }
0xd: {  	[smem:$0x3FB2] =	sst s5  }
0xe: {  	[smem:$0x3FB3] =	sst s6  }
0xf: {  	[smem:$0x3FB4] =	sst s7  }
0x10: {  	[smem:$0x3FB5] =	sst s8  }
0x11: {  	[smem:$0x3FB6] =	sst s9;
	s0 =	simm.s32 @!p0 $0x0  }
0x12: {  	s1 =	sld [smem:$0x3F9C];
	s0 =	simm.s32 @p0 $0x1  }
0x13: {  	[smem:$0x3FB7] =	sst s0;
	s0 =	simm.s32 @!p1 $0x0  }
0x14: {  	s2 =	sld [smem:$0x3F9B];
	s0 =	simm.s32 @p1 $0x1  }
0x15: {  	[smem:$0x3FB8] =	sst s0;
	s0 =	simm.s32 @!p2 $0x0  }
0x16: {  	s3 =	sld [smem:$0x3FDB];
	s0 =	simm.s32 @p2 $0x1  }
0x17: {  	s4 =	simm.s32 $0x1BF5;
	[smem:$0x3FBA] =	sst s0  }
0x18: {  	s0 =	sld [smem:$0x3F9D];
	_ =	swait.ge [sflag:s4], $0x0  }
0x19: {  	s7 =	sld [smem:$0x3F9E]  }
0x1a: {  	s8 =	sadd.s32 $0xFFFFE003, lr  }
0x1b: {  	s9 =	sadd.s32 $0xFFFFFEF7, lr;
	s5 =	simm.s32 $0xFFFFFFFF;
	p2 =	slt.u32 s8, $0xFFFFF086  }
0x1c: {  	p1 =	slt.u32 s9, $0xF7A;
	s5 =	simm.s32 @!p2 $0x0  }
0x1d: {  	s5 =	simm.s32 @p1 $0x1;
	p0 =	seq.s32 s7, s2  }
0x1e: {  	s7 =	smul.u32 @!p0 $0xF7A, s2;
	p2 =	seq.s32 @!p0 s5, $0x0  }
0x1f: {  	s9 =	smul.u32 $0xF7A, s1;
	s8 =	simm.s32 @!p0 $0x1BF5;
	p2 =	por !p2, p0  }
0x20: {  	[sflag:s8] =	ssyncset.s32 @!p0 $0xFFFFF086;
	s6 =	sadd.s32 @!p0 s3, s7;
	s7 =	simm.s32 @!p0 $0x108  }
0x21: {  	s3 =	sadd.s32 s3, s9;
	s6 =	sadd.s32 @!p0 $0x88, s6;
	s7 =	simm.s32 @p2 $0x1082  }
0x22: {  	[simem:s7], [sflag:s8] =	dma.local @!p0 [hbm:s6], $0xF7A  }
0x23: {  	s9 =	sor.u32 $0xD0000000, s2;
	s6 =	simm.s32 $0x108;
	_ =	swait.ge @!p0 [sflag:s8], $0x0  }
0x24: {  	s3 =	sadd.s32 $0x88, s3;
	s6 =	simm.s32 @!p1 $0x1082;
	[sflag:s4] =	ssyncset.s32 $0xFFFFF086  }
0x25: {  	[simem:s6], [sflag:s4] =	dma.local [hbm:s3], $0xF7A  }
0x26: {  	[smem:$0x3F9E] =	sst s1;
	(tag) =	ssettag s2;
	_ =	strace s9  }
0x27: {  	s1 =	sld [smem:$0x3FAE]  }
0x28: {  	s2 =	sld [smem:$0x3FAF]  }
0x29: {  	s4 =	sld [smem:$0x3FB1]  }
0x2a: {  	p0 =	seq.s32 s5, $0x0;
	s5 =	sld [smem:$0x3FB2]  }
0x2b: {  	s6 =	sld [smem:$0x3FB3]  }
0x2c: {  	s7 =	sld [smem:$0x3FB4]  }
0x2d: {  	s3 =	simm.s32 $0x108;
	s8 =	sld [smem:$0x3FB5]  }
0x2e: {  	s3 =	simm.s32 @!p0 $0x1082;
	s9 =	sld [smem:$0x3FB6]  }
0x2f: {  	lr =	sadd.s32 s0, s3;
	s0 =	sld [smem:$0x3FAD]  }
0x30: {  	s3 =	sld [smem:$0x3FB0]  }
0x31: {  	[smem:$0x3FB9] =	sst s10  }
0x32: {  	s10 =	sld [smem:$0x3FB7];
	_ =	sdelay $0x3  }
0x33: {  	p0 =	seq.s32 s10, $0x1;
	s10 =	sld [smem:$0x3FB9];
	_ =	sdelay $0x3  }
0x34: {  	[smem:$0x3FB9] =	sst s10  }
0x35: {  	s10 =	sld [smem:$0x3FB8];
	_ =	sdelay $0x3  }
0x36: {  	p1 =	seq.s32 s10, $0x1;
	s10 =	sld [smem:$0x3FB9];
	_ =	sdelay $0x3  }
0x37: {  	[smem:$0x3FB9] =	sst s10  }
0x38: {  	s10 =	sld [smem:$0x3FBA]  }
0x39: {  	_ = 	snop;
	(pc) =	sbr.ind lr, $3  }
0x3a: {  	_ = 	snop  }
0x3b: {  	_ = 	snop  }
0x3c: {  	p2 =	seq.s32 s10, $0x1;
	s10 =	sld [smem:$0x3FB9]  }
0x3d: {  	_ =	shalt  }
0x3e: {  	_ =	shalt  }
0x3f: {  	_ =	shalt  }
0x40: {  	_ =	shalt  }
0x41: {  	_ =	shalt  }
0x42: {  	_ =	shalt  }
0x43: {  	_ =	shalt  }
0x44: {  	_ =	shalt  }
0x45: {  	_ =	shalt  }
0x46: {  	_ =	shalt  }
0x47: {  	_ =	shalt  }
0x48: {  	_ =	shalt  }
0x49: {  	_ =	shalt  }
0x4a: {  	_ =	shalt  }
0x4b: {  	_ =	shalt  }
0x4c: {  	_ =	shalt  }
0x4d: {  	_ =	shalt  }
0x4e: {  	_ =	shalt  }
0x4f: {  	_ =	shalt  }
0x50: {  	_ =	shalt  }
0x51: {  	_ =	shalt  }
0x52: {  	_ =	shalt  }
0x53: {  	_ =	shalt  }
0x54: {  	_ =	shalt  }
0x55: {  	_ =	shalt  }
0x56: {  	_ =	shalt  }
0x57: {  	_ =	shalt  }
0x58: {  	_ =	shalt  }
0x59: {  	_ =	shalt  }
0x5a: {  	_ =	shalt  }
0x5b: {  	_ =	shalt  }
0x5c: {  	_ =	shalt  }
0x5d: {  	_ =	shalt  }
0x5e: {  	_ =	shalt  }
0x5f: {  	_ =	shalt  }
0x60: {  	_ =	shalt  }
0x61: {  	_ =	shalt  }
0x62: {  	_ =	shalt  }
0x63: {  	_ =	shalt  }
0x64: {  	_ =	shalt  }
0x65: {  	_ =	shalt  }
0x66: {  	_ =	shalt  }
0x67: {  	_ =	shalt  }
0x68: {  	_ =	shalt  }
0x69: {  	_ =	shalt  }
0x6a: {  	_ =	shalt  }
0x6b: {  	_ =	shalt  }
0x6c: {  	_ =	shalt  }
0x6d: {  	_ =	shalt  }
0x6e: {  	_ =	shalt  }
0x6f: {  	_ =	shalt  }
0x70: {  	_ =	shalt  }
0x71: {  	_ =	shalt  }
0x72: {  	_ =	shalt  }
0x73: {  	_ =	shalt  }
0x74: {  	_ =	shalt  }
0x75: {  	_ =	shalt  }
0x76: {  	_ =	shalt  }
0x77: {  	_ =	shalt  }
0x78: {  	_ =	shalt  }
0x79: {  	_ =	shalt  }
0x7a: {  	_ =	shalt  }
0x7b: {  	_ =	shalt  }
0x7c: {  	_ =	shalt  }
0x7d: {  	_ =	shalt  }
0x7e: {  	_ =	shalt  }
0x7f: {  	_ =	shalt  }
0x80: {  	_ =	shalt  }
0x81: {  	_ =	shalt  }
0x82: {  	_ =	shalt  }
0x83: {  	_ =	shalt  }
0x84: {  	_ =	shalt  }
0x85: {  	_ =	shalt  }
0x86: {  	_ =	shalt  }
0x87: {  	_ =	shalt  }
.Lfunc_end0:
.L_simem_size_0:
called_computation.1_lowered:
.L_overlay_start_0:
0x88: {  	s2 =	sld [smem:$0x3FD9]  }
0x89: {  	s3 =	sld [smem:$0x3FFE];
	_ =	sdelay $0x1  }
0x8a: {  	s1 =	srdreg.scid  }
0x8b: {  	s0 =	sand.u32 $0x1, s1  }
0x8c: {  	s15 =	sshll.u32 s0, $0xA;
	s2 =	sadd.s32 s3, s2  }
0x8d: {  	s2 =	sadd.s32 s2, s15  }
0x8e: {  	[smem:$0x3FC5] =	sst s2  }
0x8f: {  	_ = 	snop  }
0x90: {  	s16 =	sld [smem:$0x3FD0];
	_ =	sdelay $0x2  }
0x91: {  	s4 =	simm.s32 $0xC;
	s5 =	simm.s32 $0x10;
	s2 =	sld [smem:$0x3FC7]  }
0x92: {  	[smem:s5], [sflag:s4] =	dma.local [hbm:s16], $0x1  }
0x93: {  	_ =	swait.eq [sflag:s4], $0x1  }
0x94: {  	[sflag:s4] =	ssyncset.done $0x0  }
0x95: {  	[sflag:s4] =	ssyncadd.s32 $0xFFFFFFFF  }
0x96: {  	s17 =	sld [smem:$0x10];
	(tm) =	ssettm $0x1  }
0x97: {  	s18 =	sld [smem:$0x3FFB];
	_ =	sdelay $0x3  }
0x98: {  	_ =	strace s18  }
0x99: {  	s3 =	sld [smem:$0x3FFC];
	_ =	sdelay $0x3  }
0x9a: {  	_ =	strace s3  }
0x9b: {  	s3 =	sld [smem:$0x3FFD];
	_ =	sdelay $0x3  }
0x9c: {  	_ =	strace s3  }
0x9d: {  	_ =	strace $0x8FFFFFFF  }
0x9e: {  	s19 =	sld [smem:$0x3FDB];
	_ =	sdelay $0x1  }
0x9f: {  	s20 =	simm.s32 $_scs_section_size  }
0xa0: {  	s6 =	simm.s32 $_size__tile_overlayer_lowered;
	s7 =	simm.s32 $_tile_overlayer_lowered  }
0xa1: {  	s8 =	simm.s32 $0x1BFF;
	s21 =	sshll.u32 s7, $0x1;
	s5 =	sadd.s32 s20, s19  }
0xa2: {  	s22 =	simm.s32 $0x0;
	s6 =	sshll.u32 s6, $0x1;
	s7 =	sadd.s32 s21, s5  }
0xa3: {  	[timem:s22], [sflag:s8] =	dma.local [hbm:s7], s6  }
0xa4: {  	_ =	swait.ge [sflag:s8], s6  }
0xa5: {  	s6 =	ssub.s32 $0x0, s6;
	[sflag:s8] =	ssyncset.done $0x0  }
0xa6: {  	[sflag:s8] =	ssyncadd.s32 s6;
	_ =	sdelay $0x1  }
0xa7: {  	s23 =	simm.s32 $0x1B8B  }
0xa8: {  	_ =	swait.ge [sflag:s23], $0x1  }
0xa9: {  	[sflag:s23] =	ssyncset.done $0x0  }
0xaa: {  	[sflag:s23] =	ssyncadd.s32 $0xFFFFFFFF  }
0xab: {  	s6 =	sld [smem:$0x0]  }
0xac: {  	s7 =	sand.u32 $0xFFFFFFFE, s1  }
0xad: {  	p0 =	sne.s32 s1, s7  }
0xae: {  	s7 =	sshll.u32 @p0 s7, $0xE  }
0xaf: {  	s7 =	sadd.s32 @p0 $0x11B8D, s7;
	s8 =	sshll.u32 @p0 s6, $0x11  }
0xb0: {  	s7 =	sor.u32 @p0 s8, s7  }
0xb1: {  	[sflag:s7] =	ssyncadd.remote.s32 @p0 $0x1;
	_ =	sdelay $0x1  }
0xb2: {  	s7 =	simm.s32 @p0 $0x1B8D  }
0xb3: {  	_ =	swait.eq @p0 [sflag:s7], $0x1  }
0xb4: {  	[sflag:s7] =	ssyncadd.s32 @p0 $0xFFFFFFFF  }
0xb5: {  	s8 =	sshll.u32 @!p0 s1, $0xE  }
0xb6: {  	s8 =	sor.u32 @!p0 $0x4000, s8;
	s7 =	simm.s32 @!p0 $0x1B8D  }
0xb7: {  	s6 =	sshll.u32 @!p0 s6, $0x11;
	s8 =	sadd.s32 @!p0 $0x11B8D, s8;
	_ =	swait.eq @!p0 [sflag:s7], $0x1  }
0xb8: {  	s6 =	sor.u32 @!p0 s6, s8;
	[sflag:s7] =	ssyncadd.s32 @!p0 $0xFFFFFFFF  }
0xb9: {  	s25 =	simm.s32 $0x1B8E;
	s24 =	sld [smem:$0x3FFE];
	[sflag:s6] =	ssyncadd.remote.s32 @!p0 $0x1  }
0xba: {  	s26 =	simm.s32 $execute0_lowered;
	[smem:$0x3FD2] =	sst s25  }
0xbb: {  	s7 =	sshll.u32 s26, $0x1;
	_ =	strace $0x80000049;
	[dreg:$0x1] =	wrdreg $0xFFFFFFFF  }
0xbc: {  	s28 =	simm.s32 $_size_execute0_lowered;
	s5 =	sadd.s32 s5, s7;
	[dreg:$0x0] =	wrdreg $0x0  }
0xbd: {  	s7 =	sshll.u32 s28, $0x1;
	[dreg:$0x2] =	wrdreg s5  }
0xbe: {  	[dreg:$0x3] =	wrdreg s7  }
0xbf: {  	[dreg:$0x4] =	wrdreg $0xC0  }
0xc0: {  	_ =	task [dreg:s22], $0x5FFFF  }
0xc1: {  	[dreg:$0x1] =	wrdreg $0xFFFFFFFF  }
0xc2: {  	[dreg:$0x0] =	wrdreg $0x60  }
0xc3: {  	[dreg:$0x2] =	wrdreg s2  }
0xc4: {  	[dreg:$0x3] =	wrdreg s24  }
0xc5: {  	[dreg:$0x4] =	wrdreg s17  }
0xc6: {  	[dreg:$0x5] =	wrdreg $0xA  }
0xc7: {  	_ =	task.clear_ibuf [dreg:s22], $0x6FFFF;
	_ =	strace $0x90000049  }
0xc8: {  	s29 =	simm.s32 $0xA;
	_ =	strace $0x8000004B  }
0xc9: {  	_ =	swait.ge [sflag:s29], $0x1  }
0xca: {  	[sflag:s29] =	ssyncadd.s32 $0xFFFFFFFF  }
0xcb: {  	_ =	strace $0x9000004B  }
0xcc: {  	_ =	sfence  }
0xcd: {  	s30 =	sld [smem:$0x0];
	_ =	sdelay $0x2  }
0xce: {  	s31 =	sshll.u32 s1, $0xD;
	s1 =	sshrl.u32 s1, $0x2  }
0xcf: {  	s4 =	sand.u32 $0x4000, s31;
	s1 =	sadd.s32 s1, s30  }
0xd0: {  	s0 =	sor.u32 s4, s0;
	s1 =	sshll.u32 s1, $0x11  }
0xd1: {  	s0 =	sor.u32 s1, s0  }
0xd2: {  	s0 =	sadd.s32 $0x8F2B, s0  }
0xd3: {  	[sflag:s0] =	ssyncadd.remote.s32 $0x1  }
0xd4: {  	_ =	sfence.sel $0xFFFF  }
0xd5: {  	[dreg:$0x0] =	wrdreg $0xFFFFFFFF;
	(pc) =	sbr.abs _section_cstart, $3  }
0xd6: {  	[dreg:$0x1] =	wrdreg $0xFFFFFFFF  }
0xd7: {  	_ =	task.clear_ibuf [dreg:s22], $0x2FFFF;
	_ =	strace $0x9FFFFFFF  }
0xd8: {  	(tm) =	ssettm $0x7FFFFFFF  }
0xd9: {  	_ =	shalt  }
tec
execute0_lowered:
.L_overlay_start_1:
0x0: {  	(tag) =	ssettag $0x1  }
0x1: {  	s2 =	srdreg.scid;
	s1 =	rddreg [dreg:$0x0]  }
0x2: {  	s0 =	stileid.u32;
	s4 =	rddreg [dreg:$0x1]  }
0x3: {  	s6 =	rddreg [dreg:$0x2];
	s24 =	simm.s32 $0x900;
	s25 =	simm.s32 $0x1100  }
0x4: {  	s26 =	simm.s32 $0x1900;
	s9 =	simm.s32 $0x3100;
	s10 =	simm.s32 $0x3900  }
0x5: {  	s11 =	simm.s32 $0x4100;
	s12 =	simm.s32 $0x4900;
	s13 =	simm.s32 $0x5100  }
0x6: {  	s14 =	simm.s32 $0x5900;
	s15 =	simm.s32 $0x6100;
	s16 =	simm.s32 $0x6900  }
0x7: {  	s17 =	simm.s32 $0x7100;
	s28 =	simm.s32 $0xC100;
	s29 =	simm.s32 $0xC900  }
0x8: {  	s30 =	simm.s32 $0xD100;
	s2 =	sand.u32 $0x1, s2;
	s3 =	sshll.u32 s0, $0x1  }
0x9: {  	s31 =	simm.s32 $0x1;
	s5 =	sor.u32 s2, s3;
	s3 =	simm.s32 $0x0  }
0xa: {  	s2 =	ssub.s32 $0x2, s2;
	s7 =	smul.u32 $0x1B, s5;
	[smem:$0x7FF] =	sst s3  }
0xb: {  	s8 =	smul.u32 $0xD800, s5;
	_ =	strace $0x8000004A;
	[dreg:$0x8] =	wrdreg s24  }
0xc: {  	s5 =	smul.u32 $0x1B00, s5;
	s22 =	sshrl.u32 s2, $0x1;
	[dreg:$0x9] =	wrdreg s25  }
0xd: {  	s2 =	ssub.s32 s2, s22;
	[dreg:$0xa] =	wrdreg s26;
	s22 =	simm.s32 $0x9900  }
0xe: {  	s24 =	simm.s32 $0xA900;
	s25 =	simm.s32 $0xB100;
	s26 =	simm.s32 $0xB900  }
0xf: {  	s4 =	sadd.s32 s7, s4;
	s18 =	sshrl.u32 s8, $0x3;
	s19 =	sadd.s32 s6, s5  }
0x10: {  	s5 =	simm.s32 $0x3;
	s8 =	simm.s32 $0x2900;
	s4 =	sadd.s32 $0x36800, s4  }
0x11: {  	s20 =	sadd.s32 s6, s18;
	[dreg:$0x5] =	wrdreg s19;
	s6 =	simm.s32 $0x100  }
0x12: {  	s18 =	simm.s32 $0x7900;
	s19 =	simm.s32 $0x8100;
	[dreg:$0x4] =	wrdreg s4  }
0x13: {  	v2 =	vlaneseq.u32;
	s21 =	sadd.s32 $0x900, s20;
	s23 =	sadd.s32 $0x1200, s20;
	s4 =	smax.u32 s2, $0x1  }
0x14: {  	vm0 =	vmmov $0xffff;
	v1 =	vshrl.u32 v2, $0x3;
	s20 =	simm.s32 $0x8900;
	s2 =	simm.s32 $0x2;
	[dreg:$0x6] =	wrdreg s21  }
0x15: {  	v0 =	vand.u32 $0x7, v2;
	v2 =	vor.u32 $0x8, v2;
	v1 =	vmul.u32 $0x8, v1;
	[dreg:$0x7] =	wrdreg s23;
	s21 =	simm.s32 $0x9100;
	s23 =	simm.s32 $0xA100  }
.LBB2_1:
0x16: {  	s0 =	rddreg [dreg:$0x4]  }
0x17: {  	[tilespmem:s3], [sflag:$0x3] =	stream.linear.gather [hbm4b:s0+s3], $0xD8, $0x38;
	[tilespmem:$0xD900] =	vst v63  }
0x18: {  	_ =	swait.ge [sflag:s5], $0xD8  }
0x19: {  	[sflag:s5] =	ssyncset.done $0x0  }
0x1a: {  	[sflag:s5] =	ssyncadd.s32 $0xFFFFFF28  }
0x1b: {  	v3 =	vld [tilespmem:$0x0];
	_ =	sdelay $0x4  }
0x1c: {  	v4 =	vshll.u32 v3, $0x1  }
0x1d: {  	v3 =	vand.u32 $0x7, v3;
	v4 =	vand.u32 $0xFFFFFFF0, v4  }
0x1e: {  	v3 =	vor.u32 v3, v4  }
0x1f: {  	v4 =	vperm.xlane v3, v0;
	_ =	sdelay $0x1  }
0x20: {  	v3 =	vperm.xlane v3, v2;
	v4 =	vadd.s32 v1, v4;
	_ =	sdelay $0x1  }
0x21: {  	v3 =	vadd.s32 v1, v3;
	_ =	sdelay $0x2  }
0x22: {  	[tilespmem:s6], [sflag:$0x1] =	stream.indirect_vreg.gather [hbm4b:s1+s3], $0x80, v4, vm0, $0xb8;
	[tilespmem:$0xD900] =	vst v63  }
0x23: {  	s7 =	rddreg [dreg:$0x8]  }
0x24: {  	[tilespmem:s7], [sflag:$0x1] =	stream.indirect_vreg.gather [hbm4b:s1+s3], $0x80, v3, vm0, $0xb8;
	[tilespmem:$0xD900] =	vst v63  }
0x25: {  	v3 =	vld [tilespmem:$0x10];
	_ =	sdelay $0x4  }
0x26: {  	v50 =	vshll.u32 v3, $0x1  }
0x27: {  	v3 =	vand.u32 $0x7, v3;
	v4 =	vand.u32 $0xFFFFFFF0, v50  }
0x28: {  	v3 =	vor.u32 v3, v4  }
0x29: {  	v4 =	vperm.xlane v3, v0;
	_ =	sdelay $0x1  }
0x2a: {  	v3 =	vperm.xlane v3, v2;
	v4 =	vadd.s32 v1, v4;
	_ =	sdelay $0x1  }
0x2b: {  	v3 =	vadd.s32 v1, v3;
	_ =	sdelay $0x1  }
0x2c: {  	s0 =	rddreg [dreg:$0x9]  }
0x2d: {  	[tilespmem:s0], [sflag:$0x1] =	stream.indirect_vreg.gather [hbm4b:s1+s3], $0x80, v4, vm0, $0xb8;
	[tilespmem:$0xD900] =	vst v63  }
0x2e: {  	s7 =	rddreg [dreg:$0xa]  }
0x2f: {  	[tilespmem:s7], [sflag:$0x1] =	stream.indirect_vreg.gather [hbm4b:s1+s3], $0x80, v3, vm0, $0xb8;
	[tilespmem:$0xD900] =	vst v63  }
0x30: {  	v3 =	vld [tilespmem:$0x20];
	_ =	sdelay $0x4  }
0x31: {  	v51 =	vshll.u32 v3, $0x1  }
0x32: {  	v3 =	vand.u32 $0x7, v3;
	v4 =	vand.u32 $0xFFFFFFF0, v51  }
0x33: {  	v3 =	vor.u32 v3, v4  }
0x34: {  	v4 =	vperm.xlane v3, v0;
	_ =	sdelay $0x1  }
0x35: {  	v3 =	vperm.xlane v3, v2;
	v4 =	vadd.s32 v1, v4;
	_ =	sdelay $0x1  }
0x36: {  	v3 =	vadd.s32 v1, v3;
	_ =	sdelay $0x1  }
0x37: {  	s7 =	simm.s32 $0x2100  }
0x38: {  	[tilespmem:s7], [sflag:$0x1] =	stream.indirect_vreg.gather [hbm4b:s1+s3], $0x80, v4, vm0, $0xb8;
	[tilespmem:$0xD900] =	vst v63  }
0x39: {  	_ = 	snop  }
0x3a: {  	[tilespmem:s8], [sflag:$0x1] =	stream.indirect_vreg.gather [hbm4b:s1+s3], $0x80, v3, vm0, $0xb8;
	[tilespmem:$0xD900] =	vst v63  }
0x3b: {  	v3 =	vld [tilespmem:$0x30];
	_ =	sdelay $0x4  }
0x3c: {  	v52 =	vshll.u32 v3, $0x1  }
0x3d: {  	v3 =	vand.u32 $0x7, v3;
	v4 =	vand.u32 $0xFFFFFFF0, v52  }
0x3e: {  	v3 =	vor.u32 v3, v4  }
0x3f: {  	v4 =	vperm.xlane v3, v0;
	_ =	sdelay $0x1  }
0x40: {  	v3 =	vperm.xlane v3, v2;
	v4 =	vadd.s32 v1, v4;
	_ =	sdelay $0x1  }
0x41: {  	v3 =	vadd.s32 v1, v3;
	_ =	sdelay $0x2  }
0x42: {  	[tilespmem:s9], [sflag:$0x1] =	stream.indirect_vreg.gather [hbm4b:s1+s3], $0x80, v4, vm0, $0xb8;
	[tilespmem:$0xD900] =	vst v63  }
0x43: {  	_ = 	snop  }
0x44: {  	[tilespmem:s10], [sflag:$0x1] =	stream.indirect_vreg.gather [hbm4b:s1+s3], $0x80, v3, vm0, $0xb8;
	[tilespmem:$0xD900] =	vst v63  }
0x45: {  	v3 =	vld.msk [tilespmem:$0x40], $0xff;
	_ =	sdelay $0x4  }
0x46: {  	v53 =	vshll.u32 v3, $0x1  }
0x47: {  	v3 =	vand.u32 $0x7, v3;
	v4 =	vand.u32 $0xFFFFFFF0, v53  }
0x48: {  	v3 =	vor.u32 v3, v4  }
0x49: {  	v3 =	vperm.xlane v3, v0;
	_ =	sdelay $0x1  }
0x4a: {  	v3 =	vadd.s32 v1, v3;
	_ =	sdelay $0x4  }
0x4b: {  	[tilespmem:s11], [sflag:$0x1] =	stream.indirect_vreg.gather [hbm4b:s1+s3], $0x80, v3, vm0, $0xb8;
	[tilespmem:$0xD900] =	vst v63  }
0x4c: {  	v3 =	vld [tilespmem:$0x48];
	_ =	sdelay $0x4  }
0x4d: {  	v54 =	vshll.u32 v3, $0x1  }
0x4e: {  	v3 =	vand.u32 $0x7, v3;
	v4 =	vand.u32 $0xFFFFFFF0, v54  }
0x4f: {  	v3 =	vor.u32 v3, v4  }
0x50: {  	v4 =	vperm.xlane v3, v0;
	_ =	sdelay $0x1  }
0x51: {  	v3 =	vperm.xlane v3, v2;
	v4 =	vadd.s32 v1, v4;
	_ =	sdelay $0x1  }
0x52: {  	v3 =	vadd.s32 v1, v3;
	_ =	sdelay $0x2  }
0x53: {  	[tilespmem:s12], [sflag:$0x1] =	stream.indirect_vreg.gather [hbm4b:s1+s3], $0x80, v4, vm0, $0xb8;
	[tilespmem:$0xD900] =	vst v63  }
0x54: {  	_ = 	snop  }
0x55: {  	[tilespmem:s13], [sflag:$0x1] =	stream.indirect_vreg.gather [hbm4b:s1+s3], $0x80, v3, vm0, $0xb8;
	[tilespmem:$0xD900] =	vst v63  }
0x56: {  	v3 =	vld [tilespmem:$0x58];
	_ =	sdelay $0x4  }
0x57: {  	v55 =	vshll.u32 v3, $0x1  }
0x58: {  	v3 =	vand.u32 $0x7, v3;
	v4 =	vand.u32 $0xFFFFFFF0, v55  }
0x59: {  	v3 =	vor.u32 v3, v4  }
0x5a: {  	v4 =	vperm.xlane v3, v0;
	_ =	sdelay $0x1  }
0x5b: {  	v3 =	vperm.xlane v3, v2;
	v4 =	vadd.s32 v1, v4;
	_ =	sdelay $0x1  }
0x5c: {  	v3 =	vadd.s32 v1, v3;
	_ =	sdelay $0x2  }
0x5d: {  	[tilespmem:s14], [sflag:$0x1] =	stream.indirect_vreg.gather [hbm4b:s1+s3], $0x80, v4, vm0, $0xb8;
	[tilespmem:$0xD900] =	vst v63  }
0x5e: {  	_ = 	snop  }
0x5f: {  	[tilespmem:s15], [sflag:$0x1] =	stream.indirect_vreg.gather [hbm4b:s1+s3], $0x80, v3, vm0, $0xb8;
	[tilespmem:$0xD900] =	vst v63  }
0x60: {  	v3 =	vld [tilespmem:$0x68];
	_ =	sdelay $0x4  }
0x61: {  	v56 =	vshll.u32 v3, $0x1  }
0x62: {  	v3 =	vand.u32 $0x7, v3;
	v4 =	vand.u32 $0xFFFFFFF0, v56  }
0x63: {  	v3 =	vor.u32 v3, v4  }
0x64: {  	v4 =	vperm.xlane v3, v0;
	_ =	sdelay $0x1  }
0x65: {  	v3 =	vperm.xlane v3, v2;
	v4 =	vadd.s32 v1, v4;
	_ =	sdelay $0x1  }
0x66: {  	v3 =	vadd.s32 v1, v3;
	_ =	sdelay $0x2  }
0x67: {  	[tilespmem:s16], [sflag:$0x1] =	stream.indirect_vreg.gather [hbm4b:s1+s3], $0x80, v4, vm0, $0xb8;
	[tilespmem:$0xD900] =	vst v63  }
0x68: {  	_ = 	snop  }
0x69: {  	[tilespmem:s17], [sflag:$0x1] =	stream.indirect_vreg.gather [hbm4b:s1+s3], $0x80, v3, vm0, $0xb8;
	[tilespmem:$0xD900] =	vst v63  }
0x6a: {  	v3 =	vld [tilespmem:$0x78];
	_ =	sdelay $0x4  }
0x6b: {  	v57 =	vshll.u32 v3, $0x1  }
0x6c: {  	v3 =	vand.u32 $0x7, v3;
	v4 =	vand.u32 $0xFFFFFFF0, v57  }
0x6d: {  	v3 =	vor.u32 v3, v4  }
0x6e: {  	v4 =	vperm.xlane v3, v0;
	_ =	sdelay $0x1  }
0x6f: {  	v3 =	vperm.xlane v3, v2;
	v4 =	vadd.s32 v1, v4;
	_ =	sdelay $0x1  }
0x70: {  	v3 =	vadd.s32 v1, v3;
	_ =	sdelay $0x2  }
0x71: {  	[tilespmem:s18], [sflag:$0x1] =	stream.indirect_vreg.gather [hbm4b:s1+s3], $0x80, v4, vm0, $0xb8;
	[tilespmem:$0xD900] =	vst v63  }
0x72: {  	_ = 	snop  }
0x73: {  	[tilespmem:s19], [sflag:$0x1] =	stream.indirect_vreg.gather [hbm4b:s1+s3], $0x80, v3, vm0, $0xb8;
	[tilespmem:$0xD900] =	vst v63  }
0x74: {  	v3 =	vld.msk [tilespmem:$0x88], $0xff;
	_ =	sdelay $0x4  }
0x75: {  	v58 =	vshll.u32 v3, $0x1  }
0x76: {  	v3 =	vand.u32 $0x7, v3;
	v4 =	vand.u32 $0xFFFFFFF0, v58  }
0x77: {  	v3 =	vor.u32 v3, v4  }
0x78: {  	v3 =	vperm.xlane v3, v0;
	_ =	sdelay $0x1  }
0x79: {  	v3 =	vadd.s32 v1, v3;
	_ =	sdelay $0x4  }
0x7a: {  	[tilespmem:s20], [sflag:$0x1] =	stream.indirect_vreg.gather [hbm4b:s1+s3], $0x80, v3, vm0, $0xb8;
	[tilespmem:$0xD900] =	vst v63  }
0x7b: {  	v3 =	vld [tilespmem:$0x90];
	_ =	sdelay $0x4  }
0x7c: {  	v59 =	vshll.u32 v3, $0x1  }
0x7d: {  	v3 =	vand.u32 $0x7, v3;
	v4 =	vand.u32 $0xFFFFFFF0, v59  }
0x7e: {  	v3 =	vor.u32 v3, v4  }
0x7f: {  	v4 =	vperm.xlane v3, v0;
	_ =	sdelay $0x1  }
0x80: {  	v3 =	vperm.xlane v3, v2;
	v4 =	vadd.s32 v1, v4;
	_ =	sdelay $0x1  }
0x81: {  	v3 =	vadd.s32 v1, v3;
	_ =	sdelay $0x2  }
0x82: {  	[tilespmem:s21], [sflag:$0x1] =	stream.indirect_vreg.gather [hbm4b:s1+s3], $0x80, v4, vm0, $0xb8;
	[tilespmem:$0xD900] =	vst v63  }
0x83: {  	_ = 	snop  }
0x84: {  	[tilespmem:s22], [sflag:$0x1] =	stream.indirect_vreg.gather [hbm4b:s1+s3], $0x80, v3, vm0, $0xb8;
	[tilespmem:$0xD900] =	vst v63  }
0x85: {  	v3 =	vld [tilespmem:$0xA0];
	_ =	sdelay $0x4  }
0x86: {  	v60 =	vshll.u32 v3, $0x1  }
0x87: {  	v3 =	vand.u32 $0x7, v3;
	v4 =	vand.u32 $0xFFFFFFF0, v60  }
0x88: {  	v3 =	vor.u32 v3, v4  }
0x89: {  	v4 =	vperm.xlane v3, v0;
	_ =	sdelay $0x1  }
0x8a: {  	v3 =	vperm.xlane v3, v2;
	v4 =	vadd.s32 v1, v4;
	_ =	sdelay $0x1  }
0x8b: {  	v3 =	vadd.s32 v1, v3;
	_ =	sdelay $0x2  }
0x8c: {  	[tilespmem:s23], [sflag:$0x1] =	stream.indirect_vreg.gather [hbm4b:s1+s3], $0x80, v4, vm0, $0xb8;
	[tilespmem:$0xD900] =	vst v63  }
0x8d: {  	_ = 	snop  }
0x8e: {  	[tilespmem:s24], [sflag:$0x1] =	stream.indirect_vreg.gather [hbm4b:s1+s3], $0x80, v3, vm0, $0xb8;
	[tilespmem:$0xD900] =	vst v63  }
0x8f: {  	v3 =	vld [tilespmem:$0xB0];
	_ =	sdelay $0x4  }
0x90: {  	v61 =	vshll.u32 v3, $0x1  }
0x91: {  	v3 =	vand.u32 $0x7, v3;
	v4 =	vand.u32 $0xFFFFFFF0, v61  }
0x92: {  	v3 =	vor.u32 v3, v4  }
0x93: {  	v4 =	vperm.xlane v3, v0;
	_ =	sdelay $0x1  }
0x94: {  	v3 =	vperm.xlane v3, v2;
	v4 =	vadd.s32 v1, v4;
	_ =	sdelay $0x1  }
0x95: {  	v3 =	vadd.s32 v1, v3;
	_ =	sdelay $0x2  }
0x96: {  	[tilespmem:s25], [sflag:$0x1] =	stream.indirect_vreg.gather [hbm4b:s1+s3], $0x80, v4, vm0, $0xb8;
	[tilespmem:$0xD900] =	vst v63  }
0x97: {  	_ = 	snop  }
0x98: {  	[tilespmem:s26], [sflag:$0x1] =	stream.indirect_vreg.gather [hbm4b:s1+s3], $0x80, v3, vm0, $0xb8;
	[tilespmem:$0xD900] =	vst v63  }
0x99: {  	v3 =	vld [tilespmem:$0xC0];
	_ =	sdelay $0x4  }
0x9a: {  	v62 =	vshll.u32 v3, $0x1  }
0x9b: {  	v3 =	vand.u32 $0x7, v3;
	v4 =	vand.u32 $0xFFFFFFF0, v62  }
0x9c: {  	v3 =	vor.u32 v3, v4  }
0x9d: {  	v4 =	vperm.xlane v3, v0;
	_ =	sdelay $0x1  }
0x9e: {  	v3 =	vperm.xlane v3, v2;
	v4 =	vadd.s32 v1, v4;
	_ =	sdelay $0x1  }
0x9f: {  	v3 =	vadd.s32 v1, v3;
	_ =	sdelay $0x2  }
0xa0: {  	[tilespmem:s28], [sflag:$0x1] =	stream.indirect_vreg.gather [hbm4b:s1+s3], $0x80, v4, vm0, $0xb8;
	[tilespmem:$0xD900] =	vst v63  }
0xa1: {  	_ = 	snop  }
0xa2: {  	[tilespmem:s29], [sflag:$0x1] =	stream.indirect_vreg.gather [hbm4b:s1+s3], $0x80, v3, vm0, $0xb8;
	[tilespmem:$0xD900] =	vst v63  }
0xa3: {  	v3 =	vld.msk [tilespmem:$0xD0], $0xff;
	_ =	sdelay $0x4  }
0xa4: {  	v63 =	vshll.u32 v3, $0x1  }
0xa5: {  	v3 =	vand.u32 $0x7, v3;
	v4 =	vand.u32 $0xFFFFFFF0, v63  }
0xa6: {  	v3 =	vor.u32 v3, v4  }
0xa7: {  	v3 =	vperm.xlane v3, v0;
	_ =	sdelay $0x1  }
0xa8: {  	v3 =	vadd.s32 v1, v3;
	_ =	sdelay $0x4  }
0xa9: {  	[tilespmem:s30], [sflag:$0x1] =	stream.indirect_vreg.gather [hbm4b:s1+s3], $0x80, v3, vm0, $0xb8;
	[tilespmem:$0xD900] =	vst v63  }
0xaa: {  	_ =	swait.ge [sflag:s31], $0x4800  }
0xab: {  	[sflag:s31] =	ssyncset.done $0x0  }
0xac: {  	s7 =	rddreg [dreg:$0x5];
	[sflag:s31] =	ssyncadd.s32 $0xFFFFB800  }
0xad: {  	[hbm4b:s7+s3] =	stream.linear.scatter [tilespmem:s6], [sflag:$0x2], $0x4800, $0x38;
	[tilespmem:$0xD900] =	vst v63  }
0xae: {  	_ =	swait.ge [sflag:s31], $0x4800  }
0xaf: {  	[sflag:s31] =	ssyncset.done $0x0  }
0xb0: {  	s7 =	rddreg [dreg:$0x6];
	[sflag:s31] =	ssyncadd.s32 $0xFFFFB800  }
0xb1: {  	[hbm4b:s7+s3] =	stream.linear.scatter [tilespmem:s12], [sflag:$0x2], $0x4800, $0x38;
	[tilespmem:$0xD900] =	vst v63  }
0xb2: {  	_ =	swait.ge [sflag:s31], $0x4800  }
0xb3: {  	[sflag:s31] =	ssyncset.done $0x0  }
0xb4: {  	s7 =	rddreg [dreg:$0x7];
	[sflag:s31] =	ssyncadd.s32 $0xFFFFB800  }
0xb5: {  	[hbm4b:s7+s3] =	stream.linear.scatter [tilespmem:s21], [sflag:$0x2], $0x4800, $0x38;
	[tilespmem:$0xD900] =	vst v63  }
0xb6: {  	_ =	swait.ge [sflag:s2], $0x4800  }
0xb7: {  	[sflag:s2] =	ssyncset.done $0x0  }
0xb8: {  	[sflag:s2] =	ssyncadd.s32 $0xFFFFB800  }
0xb9: {  	p0 =	sne.s32 s4, $0x1;
	_ =	swait.ge [sflag:s2], $0x4800  }
.Ltmp0:
0xba: {  	[sflag:s2] =	ssyncset.done $0x0;
	(pc) =	sbr.rel @p0 .LBB2_1-.Ltmp0, $4  }
0xbb: {  	[sflag:s2] =	ssyncadd.s32 $0xFFFFB800  }
0xbc: {  	_ =	swait.ge [sflag:s2], $0x4800  }
0xbd: {  	[sflag:s2] =	ssyncset.done $0x0  }
0xbe: {  	s4 =	sadd.s32 $0xFFFFFFFF, s4;
	[sflag:s2] =	ssyncadd.s32 $0xFFFFB800  }
0xbf: {  	_ =	sfence.sel $0x180000  }
0xc0: {  	[bflag:$0x0] =	sbarrier.arrive $0xFFFF  }
0xc1: {  	_ =	strace $0x9000004A  }
0xc2: {  	s0 =	stileid.u32;
	[bflag:$0x2] =	sbarrier.arrive $0xFFFF  }
0xc3: {  	p0 =	sne.s32 s0, $0x0;
	s0 =	rddreg [dreg:$0x3]  }
0xc4: {  	s0 =	sadd.s32 @!p0 $0x100000, s0  }
0xc5: {  	[sflag:s0] =	ssyncadd.tile.s32 @!p0 $0x1;
	_ =	shalt  }
.Lfunc_end2:
_tile_overlayer_lowered:
.L_overlay_start_2:
0xc6: {  	(tag) =	ssettag $0x2  }
0xc7: {  	s0 =	rddreg [dreg:$0x0];
	s2 =	stileid.u32  }
0xc8: {  	s1 =	rddreg [dreg:$0x1];
	p0 =	sne.s32 s2, $0x0  }
0xc9: {  	s3 =	rddreg [dreg:$0x2];
	[bflag:$0x3] =	sbarrier.arrive $0xFFFF;
	s2 =	simm.s32 @!p0 $0x1C03  }
0xca: {  	[timem:s3], [sflag:s2] =	dma.local @!p0 [hbm:s0], s1  }
0xcb: {  	s0 =	simm.s32 @!p0 $0x3  }
0xcc: {  	_ =	swait.ge @!p0 [sflag:s0], s1  }
0xcd: {  	s1 =	ssub.s32 @!p0 $0x0, s1;
	[sflag:s0] =	ssyncset.done @!p0 $0x0  }
0xce: {  	[sflag:s0] =	ssyncadd.s32 @!p0 s1  }
0xcf: {  	[bflag:$0x3] =	sbarrier.arrive $0xFFFF  }
0xd0: {  	_ =	shalt  }

// kernel: kernel.14.cloned.1.call-start
scs
__scs_entry_jumppad:
0x0: {  	(pc) =	sbr.rel $0x88, $3  }
0x1: {  	(tag) =	ssettag $0x0;
	lr =	simm.s32 $0x1  }
0x2: {  	[smem:$0x3F9E] =	sst lr;
	_ =	strace $0xD0000000  }
0x3: {  	_ = 	snop  }
0x4: {  	_ = 	snop  }
0x5: {  	_ = 	snop  }
0x6: {  	_ = 	snop  }
0x7: {  	_ = 	snop  }
__scs_overlays_trampoline_lowered:
0x8: {  	[smem:$0x3FAD] =	sst s0  }
0x9: {  	[smem:$0x3FAE] =	sst s1  }
0xa: {  	[smem:$0x3FAF] =	sst s2  }
0xb: {  	[smem:$0x3FB0] =	sst s3  }
0xc: {  	[smem:$0x3FB1] =	sst s4  }
0xd: {  	[smem:$0x3FB2] =	sst s5  }
0xe: {  	[smem:$0x3FB3] =	sst s6  }
0xf: {  	[smem:$0x3FB4] =	sst s7  }
0x10: {  	[smem:$0x3FB5] =	sst s8  }
0x11: {  	[smem:$0x3FB6] =	sst s9;
	s0 =	simm.s32 @!p0 $0x0  }
0x12: {  	s1 =	sld [smem:$0x3F9C];
	s0 =	simm.s32 @p0 $0x1  }
0x13: {  	[smem:$0x3FB7] =	sst s0;
	s0 =	simm.s32 @!p1 $0x0  }
0x14: {  	s2 =	sld [smem:$0x3F9B];
	s0 =	simm.s32 @p1 $0x1  }
0x15: {  	[smem:$0x3FB8] =	sst s0;
	s0 =	simm.s32 @!p2 $0x0  }
0x16: {  	s3 =	sld [smem:$0x3FDB];
	s0 =	simm.s32 @p2 $0x1  }
0x17: {  	s4 =	simm.s32 $0x1BF5;
	[smem:$0x3FBA] =	sst s0  }
0x18: {  	s0 =	sld [smem:$0x3F9D];
	_ =	swait.ge [sflag:s4], $0x0  }
0x19: {  	s7 =	sld [smem:$0x3F9E]  }
0x1a: {  	s8 =	sadd.s32 $0xFFFFE003, lr  }
0x1b: {  	s9 =	sadd.s32 $0xFFFFFEF7, lr;
	s5 =	simm.s32 $0xFFFFFFFF;
	p2 =	slt.u32 s8, $0xFFFFF086  }
0x1c: {  	p1 =	slt.u32 s9, $0xF7A;
	s5 =	simm.s32 @!p2 $0x0  }
0x1d: {  	s5 =	simm.s32 @p1 $0x1;
	p0 =	seq.s32 s7, s2  }
0x1e: {  	s7 =	smul.u32 @!p0 $0xF7A, s2;
	p2 =	seq.s32 @!p0 s5, $0x0  }
0x1f: {  	s9 =	smul.u32 $0xF7A, s1;
	s8 =	simm.s32 @!p0 $0x1BF5;
	p2 =	por !p2, p0  }
0x20: {  	[sflag:s8] =	ssyncset.s32 @!p0 $0xFFFFF086;
	s6 =	sadd.s32 @!p0 s3, s7;
	s7 =	simm.s32 @!p0 $0x108  }
0x21: {  	s3 =	sadd.s32 s3, s9;
	s6 =	sadd.s32 @!p0 $0x88, s6;
	s7 =	simm.s32 @p2 $0x1082  }
0x22: {  	[simem:s7], [sflag:s8] =	dma.local @!p0 [hbm:s6], $0xF7A  }
0x23: {  	s9 =	sor.u32 $0xD0000000, s2;
	s6 =	simm.s32 $0x108;
	_ =	swait.ge @!p0 [sflag:s8], $0x0  }
0x24: {  	s3 =	sadd.s32 $0x88, s3;
	s6 =	simm.s32 @!p1 $0x1082;
	[sflag:s4] =	ssyncset.s32 $0xFFFFF086  }
0x25: {  	[simem:s6], [sflag:s4] =	dma.local [hbm:s3], $0xF7A  }
0x26: {  	[smem:$0x3F9E] =	sst s1;
	(tag) =	ssettag s2;
	_ =	strace s9  }
0x27: {  	s1 =	sld [smem:$0x3FAE]  }
0x28: {  	s2 =	sld [smem:$0x3FAF]  }
0x29: {  	s4 =	sld [smem:$0x3FB1]  }
0x2a: {  	p0 =	seq.s32 s5, $0x0;
	s5 =	sld [smem:$0x3FB2]  }
0x2b: {  	s6 =	sld [smem:$0x3FB3]  }
0x2c: {  	s7 =	sld [smem:$0x3FB4]  }
0x2d: {  	s3 =	simm.s32 $0x108;
	s8 =	sld [smem:$0x3FB5]  }
0x2e: {  	s3 =	simm.s32 @!p0 $0x1082;
	s9 =	sld [smem:$0x3FB6]  }
0x2f: {  	lr =	sadd.s32 s0, s3;
	s0 =	sld [smem:$0x3FAD]  }
0x30: {  	s3 =	sld [smem:$0x3FB0]  }
0x31: {  	[smem:$0x3FB9] =	sst s10  }
0x32: {  	s10 =	sld [smem:$0x3FB7];
	_ =	sdelay $0x3  }
0x33: {  	p0 =	seq.s32 s10, $0x1;
	s10 =	sld [smem:$0x3FB9];
	_ =	sdelay $0x3  }
0x34: {  	[smem:$0x3FB9] =	sst s10  }
0x35: {  	s10 =	sld [smem:$0x3FB8];
	_ =	sdelay $0x3  }
0x36: {  	p1 =	seq.s32 s10, $0x1;
	s10 =	sld [smem:$0x3FB9];
	_ =	sdelay $0x3  }
0x37: {  	[smem:$0x3FB9] =	sst s10  }
0x38: {  	s10 =	sld [smem:$0x3FBA]  }
0x39: {  	_ = 	snop;
	(pc) =	sbr.ind lr, $3  }
0x3a: {  	_ = 	snop  }
0x3b: {  	_ = 	snop  }
0x3c: {  	p2 =	seq.s32 s10, $0x1;
	s10 =	sld [smem:$0x3FB9]  }
0x3d: {  	_ =	shalt  }
0x3e: {  	_ =	shalt  }
0x3f: {  	_ =	shalt  }
0x40: {  	_ =	shalt  }
0x41: {  	_ =	shalt  }
0x42: {  	_ =	shalt  }
0x43: {  	_ =	shalt  }
0x44: {  	_ =	shalt  }
0x45: {  	_ =	shalt  }
0x46: {  	_ =	shalt  }
0x47: {  	_ =	shalt  }
0x48: {  	_ =	shalt  }
0x49: {  	_ =	shalt  }
0x4a: {  	_ =	shalt  }
0x4b: {  	_ =	shalt  }
0x4c: {  	_ =	shalt  }
0x4d: {  	_ =	shalt  }
0x4e: {  	_ =	shalt  }
0x4f: {  	_ =	shalt  }
0x50: {  	_ =	shalt  }
0x51: {  	_ =	shalt  }
0x52: {  	_ =	shalt  }
0x53: {  	_ =	shalt  }
0x54: {  	_ =	shalt  }
0x55: {  	_ =	shalt  }
0x56: {  	_ =	shalt  }
0x57: {  	_ =	shalt  }
0x58: {  	_ =	shalt  }
0x59: {  	_ =	shalt  }
0x5a: {  	_ =	shalt  }
0x5b: {  	_ =	shalt  }
0x5c: {  	_ =	shalt  }
0x5d: {  	_ =	shalt  }
0x5e: {  	_ =	shalt  }
0x5f: {  	_ =	shalt  }
0x60: {  	_ =	shalt  }
0x61: {  	_ =	shalt  }
0x62: {  	_ =	shalt  }
0x63: {  	_ =	shalt  }
0x64: {  	_ =	shalt  }
0x65: {  	_ =	shalt  }
0x66: {  	_ =	shalt  }
0x67: {  	_ =	shalt  }
0x68: {  	_ =	shalt  }
0x69: {  	_ =	shalt  }
0x6a: {  	_ =	shalt  }
0x6b: {  	_ =	shalt  }
0x6c: {  	_ =	shalt  }
0x6d: {  	_ =	shalt  }
0x6e: {  	_ =	shalt  }
0x6f: {  	_ =	shalt  }
0x70: {  	_ =	shalt  }
0x71: {  	_ =	shalt  }
0x72: {  	_ =	shalt  }
0x73: {  	_ =	shalt  }
0x74: {  	_ =	shalt  }
0x75: {  	_ =	shalt  }
0x76: {  	_ =	shalt  }
0x77: {  	_ =	shalt  }
0x78: {  	_ =	shalt  }
0x79: {  	_ =	shalt  }
0x7a: {  	_ =	shalt  }
0x7b: {  	_ =	shalt  }
0x7c: {  	_ =	shalt  }
0x7d: {  	_ =	shalt  }
0x7e: {  	_ =	shalt  }
0x7f: {  	_ =	shalt  }
0x80: {  	_ =	shalt  }
0x81: {  	_ =	shalt  }
0x82: {  	_ =	shalt  }
0x83: {  	_ =	shalt  }
0x84: {  	_ =	shalt  }
0x85: {  	_ =	shalt  }
0x86: {  	_ =	shalt  }
0x87: {  	_ =	shalt  }
.Lfunc_end0:
.L_simem_size_0:
called_computation.2_lowered:
.L_overlay_start_0:
0x88: {  	s2 =	sld [smem:$0x3FD9]  }
0x89: {  	s3 =	sld [smem:$0x3FFE];
	_ =	sdelay $0x1  }
0x8a: {  	s1 =	srdreg.scid  }
0x8b: {  	s0 =	sand.u32 $0x1, s1  }
0x8c: {  	s17 =	sshll.u32 s0, $0xA;
	s2 =	sadd.s32 s3, s2  }
0x8d: {  	s2 =	sadd.s32 s2, s17  }
0x8e: {  	[smem:$0x3FC5] =	sst s2  }
0x8f: {  	_ = 	snop  }
0x90: {  	s18 =	sld [smem:$0x3FC7];
	(tm) =	ssettm $0x1  }
0x91: {  	s19 =	sld [smem:$0x3FFB];
	_ =	sdelay $0x3  }
0x92: {  	_ =	strace s19  }
0x93: {  	s2 =	sld [smem:$0x3FFC];
	_ =	sdelay $0x3  }
0x94: {  	_ =	strace s2  }
0x95: {  	s2 =	sld [smem:$0x3FFD];
	_ =	sdelay $0x3  }
0x96: {  	_ =	strace s2  }
0x97: {  	_ =	strace $0x8FFFFFFF  }
0x98: {  	s20 =	sld [smem:$0x3FDB];
	_ =	sdelay $0x1  }
0x99: {  	s4 =	simm.s32 $_scs_section_size  }
0x9a: {  	s5 =	simm.s32 $_size__tile_overlayer_lowered;
	s6 =	simm.s32 $_tile_overlayer_lowered  }
0x9b: {  	s7 =	simm.s32 $0x1BFF;
	s21 =	sshll.u32 s6, $0x1;
	s4 =	sadd.s32 s4, s20  }
0x9c: {  	s22 =	simm.s32 $0x0;
	s5 =	sshll.u32 s5, $0x1;
	s6 =	sadd.s32 s21, s4  }
0x9d: {  	[timem:s22], [sflag:s7] =	dma.local [hbm:s6], s5  }
0x9e: {  	_ =	swait.ge [sflag:s7], s5  }
0x9f: {  	s5 =	ssub.s32 $0x0, s5;
	[sflag:s7] =	ssyncset.done $0x0  }
0xa0: {  	[sflag:s7] =	ssyncadd.s32 s5;
	_ =	sdelay $0x1  }
0xa1: {  	s23 =	simm.s32 $0x1B8B  }
0xa2: {  	_ =	swait.ge [sflag:s23], $0x1  }
0xa3: {  	[sflag:s23] =	ssyncset.done $0x0  }
0xa4: {  	[sflag:s23] =	ssyncadd.s32 $0xFFFFFFFF  }
0xa5: {  	s5 =	sld [smem:$0x0]  }
0xa6: {  	s6 =	sand.u32 $0xFFFFFFFE, s1  }
0xa7: {  	p0 =	sne.s32 s1, s6  }
0xa8: {  	s6 =	sshll.u32 @p0 s6, $0xE  }
0xa9: {  	s6 =	sadd.s32 @p0 $0x11B8D, s6;
	s7 =	sshll.u32 @p0 s5, $0x11  }
0xaa: {  	s6 =	sor.u32 @p0 s7, s6  }
0xab: {  	[sflag:s6] =	ssyncadd.remote.s32 @p0 $0x1;
	_ =	sdelay $0x1  }
0xac: {  	s6 =	simm.s32 @p0 $0x1B8D  }
0xad: {  	_ =	swait.eq @p0 [sflag:s6], $0x1  }
0xae: {  	[sflag:s6] =	ssyncadd.s32 @p0 $0xFFFFFFFF  }
0xaf: {  	s7 =	sshll.u32 @!p0 s1, $0xE  }
0xb0: {  	s7 =	sor.u32 @!p0 $0x4000, s7;
	s6 =	simm.s32 @!p0 $0x1B8D  }
0xb1: {  	s5 =	sshll.u32 @!p0 s5, $0x11;
	s7 =	sadd.s32 @!p0 $0x11B8D, s7;
	_ =	swait.eq @!p0 [sflag:s6], $0x1  }
0xb2: {  	s5 =	sor.u32 @!p0 s5, s7;
	[sflag:s6] =	ssyncadd.s32 @!p0 $0xFFFFFFFF  }
0xb3: {  	s25 =	simm.s32 $0x1B8E;
	s24 =	sld [smem:$0x3FFE];
	[sflag:s5] =	ssyncadd.remote.s32 @!p0 $0x1  }
0xb4: {  	s26 =	simm.s32 $execute0_lowered;
	[smem:$0x3FD2] =	sst s25  }
0xb5: {  	s6 =	sshll.u32 s26, $0x1;
	_ =	strace $0x8000004C;
	[dreg:$0x1] =	wrdreg $0xFFFFFFFF  }
0xb6: {  	s28 =	simm.s32 $_size_execute0_lowered;
	s4 =	sadd.s32 s4, s6;
	[dreg:$0x0] =	wrdreg $0x0  }
0xb7: {  	s6 =	sshll.u32 s28, $0x1;
	[dreg:$0x2] =	wrdreg s4  }
0xb8: {  	[dreg:$0x3] =	wrdreg s6  }
0xb9: {  	[dreg:$0x4] =	wrdreg $0xC0  }
0xba: {  	_ =	task [dreg:s22], $0x5FFFF  }
0xbb: {  	[dreg:$0x1] =	wrdreg $0xFFFFFFFF  }
0xbc: {  	[dreg:$0x0] =	wrdreg $0x60  }
0xbd: {  	[dreg:$0x2] =	wrdreg s18  }
0xbe: {  	[dreg:$0x3] =	wrdreg s24  }
0xbf: {  	[dreg:$0x4] =	wrdreg $0xB  }
0xc0: {  	_ =	task.clear_ibuf [dreg:s22], $0x5FFFF;
	_ =	strace $0x9000004C  }
0xc1: {  	s29 =	simm.s32 $0xB;
	_ =	strace $0x8000004E  }
0xc2: {  	_ =	swait.ge [sflag:s29], $0x1  }
0xc3: {  	[sflag:s29] =	ssyncadd.s32 $0xFFFFFFFF  }
0xc4: {  	_ =	strace $0x9000004E  }
0xc5: {  	_ =	sfence  }
0xc6: {  	s30 =	sld [smem:$0x0];
	_ =	sdelay $0x2  }
0xc7: {  	s31 =	sshll.u32 s1, $0xD;
	s1 =	sshrl.u32 s1, $0x2  }
0xc8: {  	s4 =	sand.u32 $0x4000, s31;
	s1 =	sadd.s32 s1, s30  }
0xc9: {  	s0 =	sor.u32 s4, s0;
	s1 =	sshll.u32 s1, $0x11  }
0xca: {  	s0 =	sor.u32 s1, s0  }
0xcb: {  	s0 =	sadd.s32 $0x8F2B, s0  }
0xcc: {  	[sflag:s0] =	ssyncadd.remote.s32 $0x1  }
0xcd: {  	_ =	sfence.sel $0xFFFF  }
0xce: {  	[dreg:$0x0] =	wrdreg $0xFFFFFFFF;
	(pc) =	sbr.abs _section_cstart, $3  }
0xcf: {  	[dreg:$0x1] =	wrdreg $0xFFFFFFFF  }
0xd0: {  	_ =	task.clear_ibuf [dreg:s22], $0x2FFFF;
	_ =	strace $0x9FFFFFFF  }
0xd1: {  	(tm) =	ssettm $0x7FFFFFFF  }
tec
execute0_lowered:
.L_overlay_start_1:
0x0: {  	(tag) =	ssettag $0x1  }
0x1: {  	s2 =	rddreg [dreg:$0x0];
	s1 =	srdreg.scid  }
0x2: {  	s0 =	stileid.u32;
	s4 =	rddreg [dreg:$0x1]  }
0x3: {  	s3 =	simm.s32 $0x0;
	s11 =	simm.s32 $0x1100;
	s12 =	simm.s32 $0x1900  }
0x4: {  	s13 =	simm.s32 $0x2100;
	s14 =	simm.s32 $0x2900;
	s15 =	simm.s32 $0x3100  }
0x5: {  	s16 =	simm.s32 $0x3900;
	s17 =	simm.s32 $0x4100;
	s18 =	simm.s32 $0x4900  }
0x6: {  	s19 =	simm.s32 $0x5100;
	s20 =	simm.s32 $0x5900;
	s21 =	simm.s32 $0x6100  }
0x7: {  	s22 =	simm.s32 $0x6900;
	s23 =	simm.s32 $0x7100;
	s24 =	simm.s32 $0x7900  }
0x8: {  	s25 =	simm.s32 $0x8100;
	s5 =	sand.u32 $0x1, s1;
	s6 =	sshll.u32 s0, $0x1  }
0x9: {  	s26 =	simm.s32 $0x8900;
	s28 =	simm.s32 $0x1;
	s6 =	sor.u32 s5, s6  }
0xa: {  	s29 =	simm.s32 $0x2;
	s1 =	rddreg [dreg:$0x2];
	s7 =	smul.u32 $0x12, s6  }
0xb: {  	[smem:$0x7FF] =	sst s3;
	s30 =	ssub.s32 $0x2, s5;
	s8 =	smul.u32 $0x9000, s6  }
0xc: {  	s9 =	sadd.s32 $0x37000, s4;
	s5 =	sshrl.u32 s30, $0x1;
	s6 =	smul.u32 $0x1200, s6  }
0xd: {  	_ =	strace $0x8000004D;
	s10 =	ssub.s32 s30, s5;
	s7 =	sadd.s32 s7, s4  }
0xe: {  	v2 =	vlaneseq.u32;
	s8 =	sshrl.u32 s8, $0x3;
	s5 =	sadd.s32 s9, s6;
	s4 =	sadd.s32 $0x36C00, s7  }
0xf: {  	vm0 =	vmmov $0xffff;
	v1 =	vshrl.u32 v2, $0x3;
	s31 =	sadd.s32 s9, s8;
	s7 =	smax.u32 s10, $0x1;
	s8 =	simm.s32 $0x3  }
0x10: {  	v0 =	vand.u32 $0x7, v2;
	v2 =	vor.u32 $0x8, v2;
	v1 =	vmul.u32 $0x8, v1;
	s9 =	simm.s32 $0x100;
	s10 =	simm.s32 $0x900;
	s6 =	sadd.s32 $0x900, s31  }
.LBB2_1:
0x11: {  	[tilespmem:s3], [sflag:$0x3] =	stream.linear.gather [hbm4b:s4+s3], $0x90, $0x38;
	[tilespmem:$0x9100] =	vst v63  }
0x12: {  	_ =	swait.ge [sflag:s8], $0x90  }
0x13: {  	[sflag:s8] =	ssyncset.done $0x0  }
0x14: {  	[sflag:s8] =	ssyncadd.s32 $0xFFFFFF70  }
0x15: {  	v3 =	vld [tilespmem:$0x0];
	_ =	sdelay $0x4  }
0x16: {  	v4 =	vshll.u32 v3, $0x1  }
0x17: {  	v3 =	vand.u32 $0x7, v3;
	v4 =	vand.u32 $0xFFFFFFF0, v4  }
0x18: {  	v3 =	vor.u32 v3, v4  }
0x19: {  	v4 =	vperm.xlane v3, v0;
	_ =	sdelay $0x1  }
0x1a: {  	v3 =	vperm.xlane v3, v2;
	v4 =	vadd.s32 v1, v4;
	_ =	sdelay $0x1  }
0x1b: {  	v3 =	vadd.s32 v1, v3;
	_ =	sdelay $0x2  }
0x1c: {  	[tilespmem:s9], [sflag:$0x1] =	stream.indirect_vreg.gather [hbm4b:s2+s3], $0x80, v4, vm0, $0xb8;
	[tilespmem:$0x9100] =	vst v63  }
0x1d: {  	_ = 	snop  }
0x1e: {  	[tilespmem:s10], [sflag:$0x1] =	stream.indirect_vreg.gather [hbm4b:s2+s3], $0x80, v3, vm0, $0xb8;
	[tilespmem:$0x9100] =	vst v63  }
0x1f: {  	v3 =	vld [tilespmem:$0x10];
	_ =	sdelay $0x4  }
0x20: {  	v55 =	vshll.u32 v3, $0x1  }
0x21: {  	v3 =	vand.u32 $0x7, v3;
	v4 =	vand.u32 $0xFFFFFFF0, v55  }
0x22: {  	v3 =	vor.u32 v3, v4  }
0x23: {  	v4 =	vperm.xlane v3, v0;
	_ =	sdelay $0x1  }
0x24: {  	v3 =	vperm.xlane v3, v2;
	v4 =	vadd.s32 v1, v4;
	_ =	sdelay $0x1  }
0x25: {  	v3 =	vadd.s32 v1, v3;
	_ =	sdelay $0x2  }
0x26: {  	[tilespmem:s11], [sflag:$0x1] =	stream.indirect_vreg.gather [hbm4b:s2+s3], $0x80, v4, vm0, $0xb8;
	[tilespmem:$0x9100] =	vst v63  }
0x27: {  	_ = 	snop  }
0x28: {  	[tilespmem:s12], [sflag:$0x1] =	stream.indirect_vreg.gather [hbm4b:s2+s3], $0x80, v3, vm0, $0xb8;
	[tilespmem:$0x9100] =	vst v63  }
0x29: {  	v3 =	vld [tilespmem:$0x20];
	_ =	sdelay $0x4  }
0x2a: {  	v56 =	vshll.u32 v3, $0x1  }
0x2b: {  	v3 =	vand.u32 $0x7, v3;
	v4 =	vand.u32 $0xFFFFFFF0, v56  }
0x2c: {  	v3 =	vor.u32 v3, v4  }
0x2d: {  	v4 =	vperm.xlane v3, v0;
	_ =	sdelay $0x1  }
0x2e: {  	v3 =	vperm.xlane v3, v2;
	v4 =	vadd.s32 v1, v4;
	_ =	sdelay $0x1  }
0x2f: {  	v3 =	vadd.s32 v1, v3;
	_ =	sdelay $0x2  }
0x30: {  	[tilespmem:s13], [sflag:$0x1] =	stream.indirect_vreg.gather [hbm4b:s2+s3], $0x80, v4, vm0, $0xb8;
	[tilespmem:$0x9100] =	vst v63  }
0x31: {  	_ = 	snop  }
0x32: {  	[tilespmem:s14], [sflag:$0x1] =	stream.indirect_vreg.gather [hbm4b:s2+s3], $0x80, v3, vm0, $0xb8;
	[tilespmem:$0x9100] =	vst v63  }
0x33: {  	v3 =	vld [tilespmem:$0x30];
	_ =	sdelay $0x4  }
0x34: {  	v57 =	vshll.u32 v3, $0x1  }
0x35: {  	v3 =	vand.u32 $0x7, v3;
	v4 =	vand.u32 $0xFFFFFFF0, v57  }
0x36: {  	v3 =	vor.u32 v3, v4  }
0x37: {  	v4 =	vperm.xlane v3, v0;
	_ =	sdelay $0x1  }
0x38: {  	v3 =	vperm.xlane v3, v2;
	v4 =	vadd.s32 v1, v4;
	_ =	sdelay $0x1  }
0x39: {  	v3 =	vadd.s32 v1, v3;
	_ =	sdelay $0x2  }
0x3a: {  	[tilespmem:s15], [sflag:$0x1] =	stream.indirect_vreg.gather [hbm4b:s2+s3], $0x80, v4, vm0, $0xb8;
	[tilespmem:$0x9100] =	vst v63  }
0x3b: {  	_ = 	snop  }
0x3c: {  	[tilespmem:s16], [sflag:$0x1] =	stream.indirect_vreg.gather [hbm4b:s2+s3], $0x80, v3, vm0, $0xb8;
	[tilespmem:$0x9100] =	vst v63  }
0x3d: {  	v3 =	vld.msk [tilespmem:$0x40], $0xff;
	_ =	sdelay $0x4  }
0x3e: {  	v58 =	vshll.u32 v3, $0x1  }
0x3f: {  	v3 =	vand.u32 $0x7, v3;
	v4 =	vand.u32 $0xFFFFFFF0, v58  }
0x40: {  	v3 =	vor.u32 v3, v4  }
0x41: {  	v3 =	vperm.xlane v3, v0;
	_ =	sdelay $0x1  }
0x42: {  	v3 =	vadd.s32 v1, v3;
	_ =	sdelay $0x4  }
0x43: {  	[tilespmem:s17], [sflag:$0x1] =	stream.indirect_vreg.gather [hbm4b:s2+s3], $0x80, v3, vm0, $0xb8;
	[tilespmem:$0x9100] =	vst v63  }
0x44: {  	v3 =	vld [tilespmem:$0x48];
	_ =	sdelay $0x4  }
0x45: {  	v59 =	vshll.u32 v3, $0x1  }
0x46: {  	v3 =	vand.u32 $0x7, v3;
	v4 =	vand.u32 $0xFFFFFFF0, v59  }
0x47: {  	v3 =	vor.u32 v3, v4  }
0x48: {  	v4 =	vperm.xlane v3, v0;
	_ =	sdelay $0x1  }
0x49: {  	v3 =	vperm.xlane v3, v2;
	v4 =	vadd.s32 v1, v4;
	_ =	sdelay $0x1  }
0x4a: {  	v3 =	vadd.s32 v1, v3;
	_ =	sdelay $0x2  }
0x4b: {  	[tilespmem:s18], [sflag:$0x1] =	stream.indirect_vreg.gather [hbm4b:s2+s3], $0x80, v4, vm0, $0xb8;
	[tilespmem:$0x9100] =	vst v63  }
0x4c: {  	_ = 	snop  }
0x4d: {  	[tilespmem:s19], [sflag:$0x1] =	stream.indirect_vreg.gather [hbm4b:s2+s3], $0x80, v3, vm0, $0xb8;
	[tilespmem:$0x9100] =	vst v63  }
0x4e: {  	v3 =	vld [tilespmem:$0x58];
	_ =	sdelay $0x4  }
0x4f: {  	v60 =	vshll.u32 v3, $0x1  }
0x50: {  	v3 =	vand.u32 $0x7, v3;
	v4 =	vand.u32 $0xFFFFFFF0, v60  }
0x51: {  	v3 =	vor.u32 v3, v4  }
0x52: {  	v4 =	vperm.xlane v3, v0;
	_ =	sdelay $0x1  }
0x53: {  	v3 =	vperm.xlane v3, v2;
	v4 =	vadd.s32 v1, v4;
	_ =	sdelay $0x1  }
0x54: {  	v3 =	vadd.s32 v1, v3;
	_ =	sdelay $0x2  }
0x55: {  	[tilespmem:s20], [sflag:$0x1] =	stream.indirect_vreg.gather [hbm4b:s2+s3], $0x80, v4, vm0, $0xb8;
	[tilespmem:$0x9100] =	vst v63  }
0x56: {  	_ = 	snop  }
0x57: {  	[tilespmem:s21], [sflag:$0x1] =	stream.indirect_vreg.gather [hbm4b:s2+s3], $0x80, v3, vm0, $0xb8;
	[tilespmem:$0x9100] =	vst v63  }
0x58: {  	v3 =	vld [tilespmem:$0x68];
	_ =	sdelay $0x4  }
0x59: {  	v61 =	vshll.u32 v3, $0x1  }
0x5a: {  	v3 =	vand.u32 $0x7, v3;
	v4 =	vand.u32 $0xFFFFFFF0, v61  }
0x5b: {  	v3 =	vor.u32 v3, v4  }
0x5c: {  	v4 =	vperm.xlane v3, v0;
	_ =	sdelay $0x1  }
0x5d: {  	v3 =	vperm.xlane v3, v2;
	v4 =	vadd.s32 v1, v4;
	_ =	sdelay $0x1  }
0x5e: {  	v3 =	vadd.s32 v1, v3;
	_ =	sdelay $0x2  }
0x5f: {  	[tilespmem:s22], [sflag:$0x1] =	stream.indirect_vreg.gather [hbm4b:s2+s3], $0x80, v4, vm0, $0xb8;
	[tilespmem:$0x9100] =	vst v63  }
0x60: {  	_ = 	snop  }
0x61: {  	[tilespmem:s23], [sflag:$0x1] =	stream.indirect_vreg.gather [hbm4b:s2+s3], $0x80, v3, vm0, $0xb8;
	[tilespmem:$0x9100] =	vst v63  }
0x62: {  	v3 =	vld [tilespmem:$0x78];
	_ =	sdelay $0x4  }
0x63: {  	v62 =	vshll.u32 v3, $0x1  }
0x64: {  	v3 =	vand.u32 $0x7, v3;
	v4 =	vand.u32 $0xFFFFFFF0, v62  }
0x65: {  	v3 =	vor.u32 v3, v4  }
0x66: {  	v4 =	vperm.xlane v3, v0;
	_ =	sdelay $0x1  }
0x67: {  	v3 =	vperm.xlane v3, v2;
	v4 =	vadd.s32 v1, v4;
	_ =	sdelay $0x1  }
0x68: {  	v3 =	vadd.s32 v1, v3;
	_ =	sdelay $0x2  }
0x69: {  	[tilespmem:s24], [sflag:$0x1] =	stream.indirect_vreg.gather [hbm4b:s2+s3], $0x80, v4, vm0, $0xb8;
	[tilespmem:$0x9100] =	vst v63  }
0x6a: {  	_ = 	snop  }
0x6b: {  	[tilespmem:s25], [sflag:$0x1] =	stream.indirect_vreg.gather [hbm4b:s2+s3], $0x80, v3, vm0, $0xb8;
	[tilespmem:$0x9100] =	vst v63  }
0x6c: {  	v3 =	vld.msk [tilespmem:$0x88], $0xff;
	_ =	sdelay $0x4  }
0x6d: {  	v63 =	vshll.u32 v3, $0x1  }
0x6e: {  	v3 =	vand.u32 $0x7, v3;
	v4 =	vand.u32 $0xFFFFFFF0, v63  }
0x6f: {  	v3 =	vor.u32 v3, v4  }
0x70: {  	v3 =	vperm.xlane v3, v0;
	_ =	sdelay $0x1  }
0x71: {  	v3 =	vadd.s32 v1, v3;
	_ =	sdelay $0x4  }
0x72: {  	[tilespmem:s26], [sflag:$0x1] =	stream.indirect_vreg.gather [hbm4b:s2+s3], $0x80, v3, vm0, $0xb8;
	[tilespmem:$0x9100] =	vst v63  }
0x73: {  	_ =	swait.ge [sflag:s28], $0x4800  }
0x74: {  	[sflag:s28] =	ssyncset.done $0x0  }
0x75: {  	[sflag:s28] =	ssyncadd.s32 $0xFFFFB800  }
0x76: {  	[hbm4b:s5+s3] =	stream.linear.scatter [tilespmem:s9], [sflag:$0x2], $0x4800, $0x38;
	[tilespmem:$0x9100] =	vst v63  }
0x77: {  	_ =	swait.ge [sflag:s28], $0x4800  }
0x78: {  	[sflag:s28] =	ssyncset.done $0x0  }
0x79: {  	[sflag:s28] =	ssyncadd.s32 $0xFFFFB800  }
0x7a: {  	[hbm4b:s6+s3] =	stream.linear.scatter [tilespmem:s18], [sflag:$0x2], $0x4800, $0x38;
	[tilespmem:$0x9100] =	vst v63  }
0x7b: {  	p0 =	sne.s32 s7, $0x1;
	_ =	swait.ge [sflag:s29], $0x4800  }
.Ltmp0:
0x7c: {  	[sflag:s29] =	ssyncset.done $0x0;
	(pc) =	sbr.rel @p0 .LBB2_1-.Ltmp0, $4  }
0x7d: {  	[sflag:s29] =	ssyncadd.s32 $0xFFFFB800  }
0x7e: {  	_ =	swait.ge [sflag:s29], $0x4800  }
0x7f: {  	[sflag:s29] =	ssyncset.done $0x0  }
0x80: {  	s7 =	sadd.s32 $0xFFFFFFFF, s7;
	[sflag:s29] =	ssyncadd.s32 $0xFFFFB800  }
0x81: {  	_ =	sfence.sel $0x180000  }
0x82: {  	[bflag:$0x0] =	sbarrier.arrive $0xFFFF  }
0x83: {  	p0 =	sne.s32 s0, $0x0;
	_ =	strace $0x9000004D  }
0x84: {  	s0 =	sadd.s32 @!p0 $0x100000, s1;
	[bflag:$0x2] =	sbarrier.arrive $0xFFFF  }
0x85: {  	[sflag:s0] =	ssyncadd.tile.s32 @!p0 $0x1;
	_ =	shalt  }
.Lfunc_end2:
_tile_overlayer_lowered:
.L_overlay_start_2:
0x86: {  	(tag) =	ssettag $0x2  }
0x87: {  	s0 =	rddreg [dreg:$0x0];
	s2 =	stileid.u32  }
0x88: {  	s1 =	rddreg [dreg:$0x1];
	p0 =	sne.s32 s2, $0x0  }
0x89: {  	s3 =	rddreg [dreg:$0x2];
	[bflag:$0x3] =	sbarrier.arrive $0xFFFF;
	s2 =	simm.s32 @!p0 $0x1C03  }
0x8a: {  	[timem:s3], [sflag:s2] =	dma.local @!p0 [hbm:s0], s1  }
0x8b: {  	s0 =	simm.s32 @!p0 $0x3  }
0x8c: {  	_ =	swait.ge @!p0 [sflag:s0], s1  }
0x8d: {  	s1 =	ssub.s32 @!p0 $0x0, s1;
	[sflag:s0] =	ssyncset.done @!p0 $0x0  }
0x8e: {  	[sflag:s0] =	ssyncadd.s32 @!p0 s1  }
0x8f: {  	[bflag:$0x3] =	sbarrier.arrive $0xFFFF  }
0x90: {  	_ =	shalt  }

// kernel: kernel.8.cloned.1.call-start
scs
__scs_entry_jumppad:
0x0: {  	(pc) =	sbr.rel $0x88, $3  }
0x1: {  	(tag) =	ssettag $0x0;
	lr =	simm.s32 $0x1  }
0x2: {  	[smem:$0x3F9E] =	sst lr;
	_ =	strace $0xD0000000  }
0x3: {  	_ = 	snop  }
0x4: {  	_ = 	snop  }
0x5: {  	_ = 	snop  }
0x6: {  	_ = 	snop  }
0x7: {  	_ = 	snop  }
__scs_overlays_trampoline_lowered:
0x8: {  	[smem:$0x3FAD] =	sst s0  }
0x9: {  	[smem:$0x3FAE] =	sst s1  }
0xa: {  	[smem:$0x3FAF] =	sst s2  }
0xb: {  	[smem:$0x3FB0] =	sst s3  }
0xc: {  	[smem:$0x3FB1] =	sst s4  }
0xd: {  	[smem:$0x3FB2] =	sst s5  }
0xe: {  	[smem:$0x3FB3] =	sst s6  }
0xf: {  	[smem:$0x3FB4] =	sst s7  }
0x10: {  	[smem:$0x3FB5] =	sst s8  }
0x11: {  	[smem:$0x3FB6] =	sst s9;
	s0 =	simm.s32 @!p0 $0x0  }
0x12: {  	s1 =	sld [smem:$0x3F9C];
	s0 =	simm.s32 @p0 $0x1  }
0x13: {  	[smem:$0x3FB7] =	sst s0;
	s0 =	simm.s32 @!p1 $0x0  }
0x14: {  	s2 =	sld [smem:$0x3F9B];
	s0 =	simm.s32 @p1 $0x1  }
0x15: {  	[smem:$0x3FB8] =	sst s0;
	s0 =	simm.s32 @!p2 $0x0  }
0x16: {  	s3 =	sld [smem:$0x3FDB];
	s0 =	simm.s32 @p2 $0x1  }
0x17: {  	s4 =	simm.s32 $0x1BF5;
	[smem:$0x3FBA] =	sst s0  }
0x18: {  	s0 =	sld [smem:$0x3F9D];
	_ =	swait.ge [sflag:s4], $0x0  }
0x19: {  	s7 =	sld [smem:$0x3F9E]  }
0x1a: {  	s8 =	sadd.s32 $0xFFFFE003, lr  }
0x1b: {  	s9 =	sadd.s32 $0xFFFFFEF7, lr;
	s5 =	simm.s32 $0xFFFFFFFF;
	p2 =	slt.u32 s8, $0xFFFFF086  }
0x1c: {  	p1 =	slt.u32 s9, $0xF7A;
	s5 =	simm.s32 @!p2 $0x0  }
0x1d: {  	s5 =	simm.s32 @p1 $0x1;
	p0 =	seq.s32 s7, s2  }
0x1e: {  	s7 =	smul.u32 @!p0 $0xF7A, s2;
	p2 =	seq.s32 @!p0 s5, $0x0  }
0x1f: {  	s9 =	smul.u32 $0xF7A, s1;
	s8 =	simm.s32 @!p0 $0x1BF5;
	p2 =	por !p2, p0  }
0x20: {  	[sflag:s8] =	ssyncset.s32 @!p0 $0xFFFFF086;
	s6 =	sadd.s32 @!p0 s3, s7;
	s7 =	simm.s32 @!p0 $0x108  }
0x21: {  	s3 =	sadd.s32 s3, s9;
	s6 =	sadd.s32 @!p0 $0x88, s6;
	s7 =	simm.s32 @p2 $0x1082  }
0x22: {  	[simem:s7], [sflag:s8] =	dma.local @!p0 [hbm:s6], $0xF7A  }
0x23: {  	s9 =	sor.u32 $0xD0000000, s2;
	s6 =	simm.s32 $0x108;
	_ =	swait.ge @!p0 [sflag:s8], $0x0  }
0x24: {  	s3 =	sadd.s32 $0x88, s3;
	s6 =	simm.s32 @!p1 $0x1082;
	[sflag:s4] =	ssyncset.s32 $0xFFFFF086  }
0x25: {  	[simem:s6], [sflag:s4] =	dma.local [hbm:s3], $0xF7A  }
0x26: {  	[smem:$0x3F9E] =	sst s1;
	(tag) =	ssettag s2;
	_ =	strace s9  }
0x27: {  	s1 =	sld [smem:$0x3FAE]  }
0x28: {  	s2 =	sld [smem:$0x3FAF]  }
0x29: {  	s4 =	sld [smem:$0x3FB1]  }
0x2a: {  	p0 =	seq.s32 s5, $0x0;
	s5 =	sld [smem:$0x3FB2]  }
0x2b: {  	s6 =	sld [smem:$0x3FB3]  }
0x2c: {  	s7 =	sld [smem:$0x3FB4]  }
0x2d: {  	s3 =	simm.s32 $0x108;
	s8 =	sld [smem:$0x3FB5]  }
0x2e: {  	s3 =	simm.s32 @!p0 $0x1082;
	s9 =	sld [smem:$0x3FB6]  }
0x2f: {  	lr =	sadd.s32 s0, s3;
	s0 =	sld [smem:$0x3FAD]  }
0x30: {  	s3 =	sld [smem:$0x3FB0]  }
0x31: {  	[smem:$0x3FB9] =	sst s10  }
0x32: {  	s10 =	sld [smem:$0x3FB7];
	_ =	sdelay $0x3  }
0x33: {  	p0 =	seq.s32 s10, $0x1;
	s10 =	sld [smem:$0x3FB9];
	_ =	sdelay $0x3  }
0x34: {  	[smem:$0x3FB9] =	sst s10  }
0x35: {  	s10 =	sld [smem:$0x3FB8];
	_ =	sdelay $0x3  }
0x36: {  	p1 =	seq.s32 s10, $0x1;
	s10 =	sld [smem:$0x3FB9];
	_ =	sdelay $0x3  }
0x37: {  	[smem:$0x3FB9] =	sst s10  }
0x38: {  	s10 =	sld [smem:$0x3FBA]  }
0x39: {  	_ = 	snop;
	(pc) =	sbr.ind lr, $3  }
0x3a: {  	_ = 	snop  }
0x3b: {  	_ = 	snop  }
0x3c: {  	p2 =	seq.s32 s10, $0x1;
	s10 =	sld [smem:$0x3FB9]  }
0x3d: {  	_ =	shalt  }
0x3e: {  	_ =	shalt  }
0x3f: {  	_ =	shalt  }
0x40: {  	_ =	shalt  }
0x41: {  	_ =	shalt  }
0x42: {  	_ =	shalt  }
0x43: {  	_ =	shalt  }
0x44: {  	_ =	shalt  }
0x45: {  	_ =	shalt  }
0x46: {  	_ =	shalt  }
0x47: {  	_ =	shalt  }
0x48: {  	_ =	shalt  }
0x49: {  	_ =	shalt  }
0x4a: {  	_ =	shalt  }
0x4b: {  	_ =	shalt  }
0x4c: {  	_ =	shalt  }
0x4d: {  	_ =	shalt  }
0x4e: {  	_ =	shalt  }
0x4f: {  	_ =	shalt  }
0x50: {  	_ =	shalt  }
0x51: {  	_ =	shalt  }
0x52: {  	_ =	shalt  }
0x53: {  	_ =	shalt  }
0x54: {  	_ =	shalt  }
0x55: {  	_ =	shalt  }
0x56: {  	_ =	shalt  }
0x57: {  	_ =	shalt  }
0x58: {  	_ =	shalt  }
0x59: {  	_ =	shalt  }
0x5a: {  	_ =	shalt  }
0x5b: {  	_ =	shalt  }
0x5c: {  	_ =	shalt  }
0x5d: {  	_ =	shalt  }
0x5e: {  	_ =	shalt  }
0x5f: {  	_ =	shalt  }
0x60: {  	_ =	shalt  }
0x61: {  	_ =	shalt  }
0x62: {  	_ =	shalt  }
0x63: {  	_ =	shalt  }
0x64: {  	_ =	shalt  }
0x65: {  	_ =	shalt  }
0x66: {  	_ =	shalt  }
0x67: {  	_ =	shalt  }
0x68: {  	_ =	shalt  }
0x69: {  	_ =	shalt  }
0x6a: {  	_ =	shalt  }
0x6b: {  	_ =	shalt  }
0x6c: {  	_ =	shalt  }
0x6d: {  	_ =	shalt  }
0x6e: {  	_ =	shalt  }
0x6f: {  	_ =	shalt  }
0x70: {  	_ =	shalt  }
0x71: {  	_ =	shalt  }
0x72: {  	_ =	shalt  }
0x73: {  	_ =	shalt  }
0x74: {  	_ =	shalt  }
0x75: {  	_ =	shalt  }
0x76: {  	_ =	shalt  }
0x77: {  	_ =	shalt  }
0x78: {  	_ =	shalt  }
0x79: {  	_ =	shalt  }
0x7a: {  	_ =	shalt  }
0x7b: {  	_ =	shalt  }
0x7c: {  	_ =	shalt  }
0x7d: {  	_ =	shalt  }
0x7e: {  	_ =	shalt  }
0x7f: {  	_ =	shalt  }
0x80: {  	_ =	shalt  }
0x81: {  	_ =	shalt  }
0x82: {  	_ =	shalt  }
0x83: {  	_ =	shalt  }
0x84: {  	_ =	shalt  }
0x85: {  	_ =	shalt  }
0x86: {  	_ =	shalt  }
0x87: {  	_ =	shalt  }
.Lfunc_end0:
.L_simem_size_0:
called_computation_lowered:
.L_overlay_start_0:
0x88: {  	s2 =	sld [smem:$0x3FD9]  }
0x89: {  	s3 =	sld [smem:$0x3FFE];
	_ =	sdelay $0x1  }
0x8a: {  	s1 =	srdreg.scid  }
0x8b: {  	s0 =	sand.u32 $0x1, s1  }
0x8c: {  	s17 =	sshll.u32 s0, $0xA;
	s2 =	sadd.s32 s3, s2  }
0x8d: {  	s2 =	sadd.s32 s2, s17  }
0x8e: {  	[smem:$0x3FC5] =	sst s2  }
0x8f: {  	_ = 	snop  }
0x90: {  	s2 =	sld [smem:$0x3FC7];
	(tm) =	ssettm $0x1  }
0x91: {  	s18 =	sld [smem:$0x3FFB];
	_ =	sdelay $0x3  }
0x92: {  	_ =	strace s18  }
0x93: {  	s3 =	sld [smem:$0x3FFC];
	_ =	sdelay $0x3  }
0x94: {  	_ =	strace s3  }
0x95: {  	s3 =	sld [smem:$0x3FFD];
	_ =	sdelay $0x3  }
0x96: {  	_ =	strace s3  }
0x97: {  	_ =	strace $0x8FFFFFFF  }
0x98: {  	s19 =	sld [smem:$0x3FDB];
	_ =	sdelay $0x1  }
0x99: {  	s4 =	simm.s32 $_scs_section_size  }
0x9a: {  	s5 =	simm.s32 $_size__tile_overlayer_lowered;
	s6 =	simm.s32 $_tile_overlayer_lowered  }
0x9b: {  	s22 =	simm.s32 $0x1BFF;
	s21 =	sshll.u32 s6, $0x1;
	s3 =	sadd.s32 s4, s19  }
0x9c: {  	s7 =	simm.s32 $0x0;
	s20 =	sshll.u32 s5, $0x1;
	s5 =	sadd.s32 s21, s3  }
0x9d: {  	[timem:s7], [sflag:s22] =	dma.local [hbm:s5], s20  }
0x9e: {  	_ =	swait.ge [sflag:s22], s20  }
0x9f: {  	s4 =	ssub.s32 $0x0, s20;
	[sflag:s22] =	ssyncset.done $0x0  }
0xa0: {  	[sflag:s22] =	ssyncadd.s32 s4;
	_ =	sdelay $0x1  }
0xa1: {  	s23 =	simm.s32 $0x1B8B  }
0xa2: {  	_ =	swait.ge [sflag:s23], $0x1  }
0xa3: {  	[sflag:s23] =	ssyncset.done $0x0  }
0xa4: {  	s25 =	simm.s32 $0x1B8E;
	s24 =	sld [smem:$0x3FFE];
	[sflag:s23] =	ssyncadd.s32 $0xFFFFFFFF  }
0xa5: {  	s26 =	simm.s32 $execute0_lowered;
	[smem:$0x3FD2] =	sst s25  }
0xa6: {  	s5 =	sshll.u32 s26, $0x1;
	_ =	strace $0x80000046;
	[dreg:$0x1] =	wrdreg $0xFFFFFFFF  }
0xa7: {  	s28 =	simm.s32 $_size_execute0_lowered;
	s3 =	sadd.s32 s3, s5;
	[dreg:$0x0] =	wrdreg $0x0  }
0xa8: {  	s5 =	sshll.u32 s28, $0x1;
	[dreg:$0x2] =	wrdreg s3  }
0xa9: {  	[dreg:$0x3] =	wrdreg s5  }
0xaa: {  	[dreg:$0x4] =	wrdreg $0xC0  }
0xab: {  	_ =	task [dreg:s7], $0x5FFFF  }
0xac: {  	[dreg:$0x1] =	wrdreg $0xFFFFFFFF  }
0xad: {  	[dreg:$0x0] =	wrdreg $0x60  }
0xae: {  	[dreg:$0x2] =	wrdreg s2  }
0xaf: {  	[dreg:$0x3] =	wrdreg s24  }
0xb0: {  	[dreg:$0x4] =	wrdreg $0x9  }
0xb1: {  	_ =	task.clear_ibuf [dreg:s7], $0x5FFFF;
	_ =	strace $0x90000046  }
0xb2: {  	s29 =	simm.s32 $0x9;
	_ =	strace $0x80000048  }
0xb3: {  	_ =	swait.ge [sflag:s29], $0x1  }
0xb4: {  	[sflag:s29] =	ssyncadd.s32 $0xFFFFFFFF  }
0xb5: {  	_ =	strace $0x90000048  }
0xb6: {  	_ =	sfence  }
0xb7: {  	s30 =	sld [smem:$0x0];
	_ =	sdelay $0x2  }
0xb8: {  	s31 =	sshll.u32 s1, $0xD;
	s1 =	sshrl.u32 s1, $0x2  }
0xb9: {  	s3 =	sand.u32 $0x4000, s31;
	s1 =	sadd.s32 s1, s30  }
0xba: {  	s0 =	sor.u32 s3, s0;
	s1 =	sshll.u32 s1, $0x11  }
0xbb: {  	s0 =	sor.u32 s1, s0  }
0xbc: {  	s0 =	sadd.s32 $0x8F2B, s0  }
0xbd: {  	[sflag:s0] =	ssyncadd.remote.s32 $0x1  }
0xbe: {  	_ =	sfence.sel $0xFFFF  }
0xbf: {  	[dreg:$0x0] =	wrdreg $0xFFFFFFFF;
	(pc) =	sbr.abs _section_cstart, $3  }
0xc0: {  	[dreg:$0x1] =	wrdreg $0xFFFFFFFF  }
0xc1: {  	_ =	task.clear_ibuf [dreg:s7], $0x2FFFF;
	_ =	strace $0x9FFFFFFF  }
0xc2: {  	(tm) =	ssettm $0x7FFFFFFF  }
0xc3: {  	_ =	shalt  }
tec
execute0_lowered:
.L_overlay_start_1:
0x0: {  	(tag) =	ssettag $0x1  }
0x1: {  	s1 =	srdreg.scid;
	s2 =	rddreg [dreg:$0x0]  }
0x2: {  	s0 =	stileid.u32;
	s4 =	rddreg [dreg:$0x1]  }
0x3: {  	s24 =	simm.s32 $0x900;
	s25 =	simm.s32 $0x1100;
	s26 =	simm.s32 $0x1900  }
0x4: {  	s8 =	simm.s32 $0x2900;
	s9 =	simm.s32 $0x3100;
	s10 =	simm.s32 $0x3900  }
0x5: {  	s11 =	simm.s32 $0x4100;
	s12 =	simm.s32 $0x4900;
	s13 =	simm.s32 $0x5100  }
0x6: {  	s14 =	simm.s32 $0x5900;
	s15 =	simm.s32 $0x6100;
	s16 =	simm.s32 $0x6900  }
0x7: {  	s17 =	simm.s32 $0x7100;
	s18 =	simm.s32 $0x7900;
	s19 =	simm.s32 $0x8100  }
0x8: {  	s20 =	simm.s32 $0x8900;
	s21 =	simm.s32 $0x9100;
	s28 =	simm.s32 $0xC100  }
0x9: {  	s29 =	simm.s32 $0xC900;
	s1 =	sand.u32 $0x1, s1;
	s3 =	sshll.u32 s0, $0x1  }
0xa: {  	s30 =	simm.s32 $0xD100;
	s5 =	sor.u32 s1, s3;
	s3 =	simm.s32 $0x0  }
0xb: {  	s31 =	simm.s32 $0x1;
	s1 =	ssub.s32 $0x2, s1;
	[smem:$0x7FF] =	sst s3  }
0xc: {  	s6 =	smul.u32 $0x1B, s5;
	_ =	strace $0x80000047;
	[dreg:$0x7] =	wrdreg s24  }
0xd: {  	s7 =	smul.u32 $0xD800, s5;
	s23 =	sshrl.u32 s1, $0x1;
	[dreg:$0x8] =	wrdreg s25  }
0xe: {  	s5 =	smul.u32 $0x1B00, s5;
	s1 =	ssub.s32 s1, s23;
	[dreg:$0x9] =	wrdreg s26  }
0xf: {  	s23 =	simm.s32 $0xA100;
	s24 =	simm.s32 $0xA900;
	s6 =	sadd.s32 s6, s4  }
0x10: {  	s4 =	sadd.s32 $0x800, s4;
	s7 =	sshrl.u32 s7, $0x3;
	s6 =	sadd.s32 $0x400, s6  }
0x11: {  	s5 =	sadd.s32 s4, s5;
	s4 =	sadd.s32 s4, s7;
	[dreg:$0x3] =	wrdreg s6  }
0x12: {  	s25 =	simm.s32 $0xB100;
	[dreg:$0x4] =	wrdreg s5;
	s22 =	sadd.s32 $0x900, s4  }
0x13: {  	v2 =	vlaneseq.u32;
	s26 =	simm.s32 $0xB900;
	s4 =	sadd.s32 $0x1200, s4;
	[dreg:$0x5] =	wrdreg s22  }
0x14: {  	vm0 =	vmmov $0xffff;
	v1 =	vshrl.u32 v2, $0x3;
	s5 =	simm.s32 $0x3;
	s6 =	simm.s32 $0x100;
	[dreg:$0x6] =	wrdreg s4  }
0x15: {  	v0 =	vand.u32 $0x7, v2;
	v2 =	vor.u32 $0x8, v2;
	v1 =	vmul.u32 $0x8, v1;
	s4 =	smax.u32 s1, $0x1;
	s22 =	simm.s32 $0x9900;
	s1 =	simm.s32 $0x2  }
.LBB2_1:
0x16: {  	s0 =	rddreg [dreg:$0x3]  }
0x17: {  	[tilespmem:s3], [sflag:$0x3] =	stream.linear.gather [hbm4b:s0+s3], $0xD8, $0x38;
	[tilespmem:$0xD900] =	vst v63  }
0x18: {  	_ =	swait.ge [sflag:s5], $0xD8  }
0x19: {  	[sflag:s5] =	ssyncset.done $0x0  }
0x1a: {  	[sflag:s5] =	ssyncadd.s32 $0xFFFFFF28  }
0x1b: {  	v3 =	vld [tilespmem:$0x0];
	_ =	sdelay $0x4  }
0x1c: {  	v4 =	vshll.u32 v3, $0x1  }
0x1d: {  	v3 =	vand.u32 $0x7, v3;
	v4 =	vand.u32 $0xFFFFFFF0, v4  }
0x1e: {  	v3 =	vor.u32 v3, v4  }
0x1f: {  	v4 =	vperm.xlane v3, v0;
	_ =	sdelay $0x1  }
0x20: {  	v3 =	vperm.xlane v3, v2;
	v4 =	vadd.s32 v1, v4;
	_ =	sdelay $0x1  }
0x21: {  	v3 =	vadd.s32 v1, v3;
	_ =	sdelay $0x2  }
0x22: {  	[tilespmem:s6], [sflag:$0x1] =	stream.indirect_vreg.gather [hbm4b:s2+s3], $0x80, v4, vm0, $0xb8;
	[tilespmem:$0xD900] =	vst v63  }
0x23: {  	s7 =	rddreg [dreg:$0x7]  }
0x24: {  	[tilespmem:s7], [sflag:$0x1] =	stream.indirect_vreg.gather [hbm4b:s2+s3], $0x80, v3, vm0, $0xb8;
	[tilespmem:$0xD900] =	vst v63  }
0x25: {  	v3 =	vld [tilespmem:$0x10];
	_ =	sdelay $0x4  }
0x26: {  	v50 =	vshll.u32 v3, $0x1  }
0x27: {  	v3 =	vand.u32 $0x7, v3;
	v4 =	vand.u32 $0xFFFFFFF0, v50  }
0x28: {  	v3 =	vor.u32 v3, v4  }
0x29: {  	v4 =	vperm.xlane v3, v0;
	_ =	sdelay $0x1  }
0x2a: {  	v3 =	vperm.xlane v3, v2;
	v4 =	vadd.s32 v1, v4;
	_ =	sdelay $0x1  }
0x2b: {  	v3 =	vadd.s32 v1, v3;
	_ =	sdelay $0x1  }
0x2c: {  	s0 =	rddreg [dreg:$0x8]  }
0x2d: {  	[tilespmem:s0], [sflag:$0x1] =	stream.indirect_vreg.gather [hbm4b:s2+s3], $0x80, v4, vm0, $0xb8;
	[tilespmem:$0xD900] =	vst v63  }
0x2e: {  	s7 =	rddreg [dreg:$0x9]  }
0x2f: {  	[tilespmem:s7], [sflag:$0x1] =	stream.indirect_vreg.gather [hbm4b:s2+s3], $0x80, v3, vm0, $0xb8;
	[tilespmem:$0xD900] =	vst v63  }
0x30: {  	v3 =	vld [tilespmem:$0x20];
	_ =	sdelay $0x4  }
0x31: {  	v51 =	vshll.u32 v3, $0x1  }
0x32: {  	v3 =	vand.u32 $0x7, v3;
	v4 =	vand.u32 $0xFFFFFFF0, v51  }
0x33: {  	v3 =	vor.u32 v3, v4  }
0x34: {  	v4 =	vperm.xlane v3, v0;
	_ =	sdelay $0x1  }
0x35: {  	v3 =	vperm.xlane v3, v2;
	v4 =	vadd.s32 v1, v4;
	_ =	sdelay $0x1  }
0x36: {  	v3 =	vadd.s32 v1, v3;
	_ =	sdelay $0x1  }
0x37: {  	s7 =	simm.s32 $0x2100  }
0x38: {  	[tilespmem:s7], [sflag:$0x1] =	stream.indirect_vreg.gather [hbm4b:s2+s3], $0x80, v4, vm0, $0xb8;
	[tilespmem:$0xD900] =	vst v63  }
0x39: {  	_ = 	snop  }
0x3a: {  	[tilespmem:s8], [sflag:$0x1] =	stream.indirect_vreg.gather [hbm4b:s2+s3], $0x80, v3, vm0, $0xb8;
	[tilespmem:$0xD900] =	vst v63  }
0x3b: {  	v3 =	vld [tilespmem:$0x30];
	_ =	sdelay $0x4  }
0x3c: {  	v52 =	vshll.u32 v3, $0x1  }
0x3d: {  	v3 =	vand.u32 $0x7, v3;
	v4 =	vand.u32 $0xFFFFFFF0, v52  }
0x3e: {  	v3 =	vor.u32 v3, v4  }
0x3f: {  	v4 =	vperm.xlane v3, v0;
	_ =	sdelay $0x1  }
0x40: {  	v3 =	vperm.xlane v3, v2;
	v4 =	vadd.s32 v1, v4;
	_ =	sdelay $0x1  }
0x41: {  	v3 =	vadd.s32 v1, v3;
	_ =	sdelay $0x2  }
0x42: {  	[tilespmem:s9], [sflag:$0x1] =	stream.indirect_vreg.gather [hbm4b:s2+s3], $0x80, v4, vm0, $0xb8;
	[tilespmem:$0xD900] =	vst v63  }
0x43: {  	_ = 	snop  }
0x44: {  	[tilespmem:s10], [sflag:$0x1] =	stream.indirect_vreg.gather [hbm4b:s2+s3], $0x80, v3, vm0, $0xb8;
	[tilespmem:$0xD900] =	vst v63  }
0x45: {  	v3 =	vld.msk [tilespmem:$0x40], $0xff;
	_ =	sdelay $0x4  }
0x46: {  	v53 =	vshll.u32 v3, $0x1  }
0x47: {  	v3 =	vand.u32 $0x7, v3;
	v4 =	vand.u32 $0xFFFFFFF0, v53  }
0x48: {  	v3 =	vor.u32 v3, v4  }
0x49: {  	v3 =	vperm.xlane v3, v0;
	_ =	sdelay $0x1  }
0x4a: {  	v3 =	vadd.s32 v1, v3;
	_ =	sdelay $0x4  }
0x4b: {  	[tilespmem:s11], [sflag:$0x1] =	stream.indirect_vreg.gather [hbm4b:s2+s3], $0x80, v3, vm0, $0xb8;
	[tilespmem:$0xD900] =	vst v63  }
0x4c: {  	v3 =	vld [tilespmem:$0x48];
	_ =	sdelay $0x4  }
0x4d: {  	v54 =	vshll.u32 v3, $0x1  }
0x4e: {  	v3 =	vand.u32 $0x7, v3;
	v4 =	vand.u32 $0xFFFFFFF0, v54  }
0x4f: {  	v3 =	vor.u32 v3, v4  }
0x50: {  	v4 =	vperm.xlane v3, v0;
	_ =	sdelay $0x1  }
0x51: {  	v3 =	vperm.xlane v3, v2;
	v4 =	vadd.s32 v1, v4;
	_ =	sdelay $0x1  }
0x52: {  	v3 =	vadd.s32 v1, v3;
	_ =	sdelay $0x2  }
0x53: {  	[tilespmem:s12], [sflag:$0x1] =	stream.indirect_vreg.gather [hbm4b:s2+s3], $0x80, v4, vm0, $0xb8;
	[tilespmem:$0xD900] =	vst v63  }
0x54: {  	_ = 	snop  }
0x55: {  	[tilespmem:s13], [sflag:$0x1] =	stream.indirect_vreg.gather [hbm4b:s2+s3], $0x80, v3, vm0, $0xb8;
	[tilespmem:$0xD900] =	vst v63  }
0x56: {  	v3 =	vld [tilespmem:$0x58];
	_ =	sdelay $0x4  }
0x57: {  	v55 =	vshll.u32 v3, $0x1  }
0x58: {  	v3 =	vand.u32 $0x7, v3;
	v4 =	vand.u32 $0xFFFFFFF0, v55  }
0x59: {  	v3 =	vor.u32 v3, v4  }
0x5a: {  	v4 =	vperm.xlane v3, v0;
	_ =	sdelay $0x1  }
0x5b: {  	v3 =	vperm.xlane v3, v2;
	v4 =	vadd.s32 v1, v4;
	_ =	sdelay $0x1  }
0x5c: {  	v3 =	vadd.s32 v1, v3;
	_ =	sdelay $0x2  }
0x5d: {  	[tilespmem:s14], [sflag:$0x1] =	stream.indirect_vreg.gather [hbm4b:s2+s3], $0x80, v4, vm0, $0xb8;
	[tilespmem:$0xD900] =	vst v63  }
0x5e: {  	_ = 	snop  }
0x5f: {  	[tilespmem:s15], [sflag:$0x1] =	stream.indirect_vreg.gather [hbm4b:s2+s3], $0x80, v3, vm0, $0xb8;
	[tilespmem:$0xD900] =	vst v63  }
0x60: {  	v3 =	vld [tilespmem:$0x68];
	_ =	sdelay $0x4  }
0x61: {  	v56 =	vshll.u32 v3, $0x1  }
0x62: {  	v3 =	vand.u32 $0x7, v3;
	v4 =	vand.u32 $0xFFFFFFF0, v56  }
0x63: {  	v3 =	vor.u32 v3, v4  }
0x64: {  	v4 =	vperm.xlane v3, v0;
	_ =	sdelay $0x1  }
0x65: {  	v3 =	vperm.xlane v3, v2;
	v4 =	vadd.s32 v1, v4;
	_ =	sdelay $0x1  }
0x66: {  	v3 =	vadd.s32 v1, v3;
	_ =	sdelay $0x2  }
0x67: {  	[tilespmem:s16], [sflag:$0x1] =	stream.indirect_vreg.gather [hbm4b:s2+s3], $0x80, v4, vm0, $0xb8;
	[tilespmem:$0xD900] =	vst v63  }
0x68: {  	_ = 	snop  }
0x69: {  	[tilespmem:s17], [sflag:$0x1] =	stream.indirect_vreg.gather [hbm4b:s2+s3], $0x80, v3, vm0, $0xb8;
	[tilespmem:$0xD900] =	vst v63  }
0x6a: {  	v3 =	vld [tilespmem:$0x78];
	_ =	sdelay $0x4  }
0x6b: {  	v57 =	vshll.u32 v3, $0x1  }
0x6c: {  	v3 =	vand.u32 $0x7, v3;
	v4 =	vand.u32 $0xFFFFFFF0, v57  }
0x6d: {  	v3 =	vor.u32 v3, v4  }
0x6e: {  	v4 =	vperm.xlane v3, v0;
	_ =	sdelay $0x1  }
0x6f: {  	v3 =	vperm.xlane v3, v2;
	v4 =	vadd.s32 v1, v4;
	_ =	sdelay $0x1  }
0x70: {  	v3 =	vadd.s32 v1, v3;
	_ =	sdelay $0x2  }
0x71: {  	[tilespmem:s18], [sflag:$0x1] =	stream.indirect_vreg.gather [hbm4b:s2+s3], $0x80, v4, vm0, $0xb8;
	[tilespmem:$0xD900] =	vst v63  }
0x72: {  	_ = 	snop  }
0x73: {  	[tilespmem:s19], [sflag:$0x1] =	stream.indirect_vreg.gather [hbm4b:s2+s3], $0x80, v3, vm0, $0xb8;
	[tilespmem:$0xD900] =	vst v63  }
0x74: {  	v3 =	vld.msk [tilespmem:$0x88], $0xff;
	_ =	sdelay $0x4  }
0x75: {  	v58 =	vshll.u32 v3, $0x1  }
0x76: {  	v3 =	vand.u32 $0x7, v3;
	v4 =	vand.u32 $0xFFFFFFF0, v58  }
0x77: {  	v3 =	vor.u32 v3, v4  }
0x78: {  	v3 =	vperm.xlane v3, v0;
	_ =	sdelay $0x1  }
0x79: {  	v3 =	vadd.s32 v1, v3;
	_ =	sdelay $0x4  }
0x7a: {  	[tilespmem:s20], [sflag:$0x1] =	stream.indirect_vreg.gather [hbm4b:s2+s3], $0x80, v3, vm0, $0xb8;
	[tilespmem:$0xD900] =	vst v63  }
0x7b: {  	v3 =	vld [tilespmem:$0x90];
	_ =	sdelay $0x4  }
0x7c: {  	v59 =	vshll.u32 v3, $0x1  }
0x7d: {  	v3 =	vand.u32 $0x7, v3;
	v4 =	vand.u32 $0xFFFFFFF0, v59  }
0x7e: {  	v3 =	vor.u32 v3, v4  }
0x7f: {  	v4 =	vperm.xlane v3, v0;
	_ =	sdelay $0x1  }
0x80: {  	v3 =	vperm.xlane v3, v2;
	v4 =	vadd.s32 v1, v4;
	_ =	sdelay $0x1  }
0x81: {  	v3 =	vadd.s32 v1, v3;
	_ =	sdelay $0x2  }
0x82: {  	[tilespmem:s21], [sflag:$0x1] =	stream.indirect_vreg.gather [hbm4b:s2+s3], $0x80, v4, vm0, $0xb8;
	[tilespmem:$0xD900] =	vst v63  }
0x83: {  	_ = 	snop  }
0x84: {  	[tilespmem:s22], [sflag:$0x1] =	stream.indirect_vreg.gather [hbm4b:s2+s3], $0x80, v3, vm0, $0xb8;
	[tilespmem:$0xD900] =	vst v63  }
0x85: {  	v3 =	vld [tilespmem:$0xA0];
	_ =	sdelay $0x4  }
0x86: {  	v60 =	vshll.u32 v3, $0x1  }
0x87: {  	v3 =	vand.u32 $0x7, v3;
	v4 =	vand.u32 $0xFFFFFFF0, v60  }
0x88: {  	v3 =	vor.u32 v3, v4  }
0x89: {  	v4 =	vperm.xlane v3, v0;
	_ =	sdelay $0x1  }
0x8a: {  	v3 =	vperm.xlane v3, v2;
	v4 =	vadd.s32 v1, v4;
	_ =	sdelay $0x1  }
0x8b: {  	v3 =	vadd.s32 v1, v3;
	_ =	sdelay $0x2  }
0x8c: {  	[tilespmem:s23], [sflag:$0x1] =	stream.indirect_vreg.gather [hbm4b:s2+s3], $0x80, v4, vm0, $0xb8;
	[tilespmem:$0xD900] =	vst v63  }
0x8d: {  	_ = 	snop  }
0x8e: {  	[tilespmem:s24], [sflag:$0x1] =	stream.indirect_vreg.gather [hbm4b:s2+s3], $0x80, v3, vm0, $0xb8;
	[tilespmem:$0xD900] =	vst v63  }
0x8f: {  	v3 =	vld [tilespmem:$0xB0];
	_ =	sdelay $0x4  }
0x90: {  	v61 =	vshll.u32 v3, $0x1  }
0x91: {  	v3 =	vand.u32 $0x7, v3;
	v4 =	vand.u32 $0xFFFFFFF0, v61  }
0x92: {  	v3 =	vor.u32 v3, v4  }
0x93: {  	v4 =	vperm.xlane v3, v0;
	_ =	sdelay $0x1  }
0x94: {  	v3 =	vperm.xlane v3, v2;
	v4 =	vadd.s32 v1, v4;
	_ =	sdelay $0x1  }
0x95: {  	v3 =	vadd.s32 v1, v3;
	_ =	sdelay $0x2  }
0x96: {  	[tilespmem:s25], [sflag:$0x1] =	stream.indirect_vreg.gather [hbm4b:s2+s3], $0x80, v4, vm0, $0xb8;
	[tilespmem:$0xD900] =	vst v63  }
0x97: {  	_ = 	snop  }
0x98: {  	[tilespmem:s26], [sflag:$0x1] =	stream.indirect_vreg.gather [hbm4b:s2+s3], $0x80, v3, vm0, $0xb8;
	[tilespmem:$0xD900] =	vst v63  }
0x99: {  	v3 =	vld [tilespmem:$0xC0];
	_ =	sdelay $0x4  }
0x9a: {  	v62 =	vshll.u32 v3, $0x1  }
0x9b: {  	v3 =	vand.u32 $0x7, v3;
	v4 =	vand.u32 $0xFFFFFFF0, v62  }
0x9c: {  	v3 =	vor.u32 v3, v4  }
0x9d: {  	v4 =	vperm.xlane v3, v0;
	_ =	sdelay $0x1  }
0x9e: {  	v3 =	vperm.xlane v3, v2;
	v4 =	vadd.s32 v1, v4;
	_ =	sdelay $0x1  }
0x9f: {  	v3 =	vadd.s32 v1, v3;
	_ =	sdelay $0x2  }
0xa0: {  	[tilespmem:s28], [sflag:$0x1] =	stream.indirect_vreg.gather [hbm4b:s2+s3], $0x80, v4, vm0, $0xb8;
	[tilespmem:$0xD900] =	vst v63  }
0xa1: {  	_ = 	snop  }
0xa2: {  	[tilespmem:s29], [sflag:$0x1] =	stream.indirect_vreg.gather [hbm4b:s2+s3], $0x80, v3, vm0, $0xb8;
	[tilespmem:$0xD900] =	vst v63  }
0xa3: {  	v3 =	vld.msk [tilespmem:$0xD0], $0xff;
	_ =	sdelay $0x4  }
0xa4: {  	v63 =	vshll.u32 v3, $0x1  }
0xa5: {  	v3 =	vand.u32 $0x7, v3;
	v4 =	vand.u32 $0xFFFFFFF0, v63  }
0xa6: {  	v3 =	vor.u32 v3, v4  }
0xa7: {  	v3 =	vperm.xlane v3, v0;
	_ =	sdelay $0x1  }
0xa8: {  	v3 =	vadd.s32 v1, v3;
	_ =	sdelay $0x4  }
0xa9: {  	[tilespmem:s30], [sflag:$0x1] =	stream.indirect_vreg.gather [hbm4b:s2+s3], $0x80, v3, vm0, $0xb8;
	[tilespmem:$0xD900] =	vst v63  }
0xaa: {  	_ =	swait.ge [sflag:s31], $0x4800  }
0xab: {  	[sflag:s31] =	ssyncset.done $0x0  }
0xac: {  	s7 =	rddreg [dreg:$0x4];
	[sflag:s31] =	ssyncadd.s32 $0xFFFFB800  }
0xad: {  	[hbm4b:s7+s3] =	stream.linear.scatter [tilespmem:s6], [sflag:$0x2], $0x4800, $0x38;
	[tilespmem:$0xD900] =	vst v63  }
0xae: {  	_ =	swait.ge [sflag:s31], $0x4800  }
0xaf: {  	[sflag:s31] =	ssyncset.done $0x0  }
0xb0: {  	s7 =	rddreg [dreg:$0x5];
	[sflag:s31] =	ssyncadd.s32 $0xFFFFB800  }
0xb1: {  	[hbm4b:s7+s3] =	stream.linear.scatter [tilespmem:s12], [sflag:$0x2], $0x4800, $0x38;
	[tilespmem:$0xD900] =	vst v63  }
0xb2: {  	_ =	swait.ge [sflag:s31], $0x4800  }
0xb3: {  	[sflag:s31] =	ssyncset.done $0x0  }
0xb4: {  	s7 =	rddreg [dreg:$0x6];
	[sflag:s31] =	ssyncadd.s32 $0xFFFFB800  }
0xb5: {  	[hbm4b:s7+s3] =	stream.linear.scatter [tilespmem:s21], [sflag:$0x2], $0x4800, $0x38;
	[tilespmem:$0xD900] =	vst v63  }
0xb6: {  	_ =	swait.ge [sflag:s1], $0x4800  }
0xb7: {  	[sflag:s1] =	ssyncset.done $0x0  }
0xb8: {  	[sflag:s1] =	ssyncadd.s32 $0xFFFFB800  }
0xb9: {  	p0 =	sne.s32 s4, $0x1;
	_ =	swait.ge [sflag:s1], $0x4800  }
.Ltmp0:
0xba: {  	[sflag:s1] =	ssyncset.done $0x0;
	(pc) =	sbr.rel @p0 .LBB2_1-.Ltmp0, $4  }
0xbb: {  	[sflag:s1] =	ssyncadd.s32 $0xFFFFB800  }
0xbc: {  	_ =	swait.ge [sflag:s1], $0x4800  }
0xbd: {  	[sflag:s1] =	ssyncset.done $0x0  }
0xbe: {  	s4 =	sadd.s32 $0xFFFFFFFF, s4;
	[sflag:s1] =	ssyncadd.s32 $0xFFFFB800  }
0xbf: {  	_ =	sfence.sel $0x180000  }
0xc0: {  	[bflag:$0x0] =	sbarrier.arrive $0xFFFF  }
0xc1: {  	_ =	strace $0x90000047  }
0xc2: {  	s0 =	stileid.u32;
	[bflag:$0x2] =	sbarrier.arrive $0xFFFF  }
0xc3: {  	p0 =	sne.s32 s0, $0x0;
	s0 =	rddreg [dreg:$0x2]  }
0xc4: {  	s0 =	sadd.s32 @!p0 $0x100000, s0  }
0xc5: {  	[sflag:s0] =	ssyncadd.tile.s32 @!p0 $0x1;
	_ =	shalt  }
.Lfunc_end2:
_tile_overlayer_lowered:
.L_overlay_start_2:
0xc6: {  	(tag) =	ssettag $0x2  }
0xc7: {  	s0 =	rddreg [dreg:$0x0];
	s2 =	stileid.u32  }
0xc8: {  	s1 =	rddreg [dreg:$0x1];
	p0 =	sne.s32 s2, $0x0  }
0xc9: {  	s3 =	rddreg [dreg:$0x2];
	[bflag:$0x3] =	sbarrier.arrive $0xFFFF;
	s2 =	simm.s32 @!p0 $0x1C03  }
0xca: {  	[timem:s3], [sflag:s2] =	dma.local @!p0 [hbm:s0], s1  }
0xcb: {  	s0 =	simm.s32 @!p0 $0x3  }
0xcc: {  	_ =	swait.ge @!p0 [sflag:s0], s1  }
0xcd: {  	s1 =	ssub.s32 @!p0 $0x0, s1;
	[sflag:s0] =	ssyncset.done @!p0 $0x0  }
0xce: {  	[sflag:s0] =	ssyncadd.s32 @!p0 s1  }
0xcf: {  	[bflag:$0x3] =	sbarrier.arrive $0xFFFF  }
0xd0: {  	_ =	shalt  }

</sc_bundles>
